<compile_context>
chip_gen: v7x
topology: tpu7x:2x2x1
jax: 0.10.2.dev20260603
libtpu: 0.0.44.dev20260713+nightly
codegen_flags: <defaults>
</compile_context>

<pallas_src>
import functools

import jax
import jax.numpy as jnp
from jax import lax
from jax.experimental import pallas as pl
from jax.experimental.pallas import tpu as pltpu
from jax.experimental.pallas import tpu_sc as plsc

N_PROTEINS = 20000
N_RUNS = 100
BATCH = 16384
PAD_W = 128

NC = 2
NS = 16
L = 16
NW = NC * NS
BPW = BATCH // NW
BLK = 128
NBLK = BPW // BLK
N_FULL = N_RUNS // L
TAIL_BASE = N_RUNS - L


def _vmem_set():
    return [
        pltpu.VMEM((BLK, N_RUNS + 1), jnp.float32),
        pltpu.VMEM((BLK + L,), jnp.float32),
        pltpu.VMEM((BLK,), jnp.int32),
        pltpu.VMEM((BLK, PAD_W), jnp.float32),
    ]


@functools.partial(
    pl.kernel,
    out_type=jax.ShapeDtypeStruct((NW * 2 * L,), jnp.float32),
    mesh=plsc.VectorSubcoreMesh(core_axis_name="c", subcore_axis_name="s"),
    scratch_types=[
        *_vmem_set(),
        *_vmem_set(),
        *_vmem_set(),
        pltpu.VMEM((2 * L,), jnp.float32),
        pltpu.SemaphoreType.DMA,
        pltpu.SemaphoreType.DMA,
        pltpu.SemaphoreType.DMA,
        pltpu.SemaphoreType.DMA,
        pltpu.SemaphoreType.DMA,
        pltpu.SemaphoreType.DMA,
    ],
)
def _sc_partial_loss(yt_hbm, yp_hbm, lab_hbm, al_hbm, out_hbm,
                     yt0, yp0, idx0, rows0, yt1, yp1, idx1, rows1,
                     yt2, yp2, idx2, rows2,
                     part_v, sem_in0, sem_in1, sem_in2,
                     sem_g0, sem_g1, sem_g2):
    wid = lax.axis_index("s") * NC + lax.axis_index("c")
    base = wid * BPW

    iota16 = lax.iota(jnp.int32, L)
    bufs = ((yt0, yp0, idx0, rows0, sem_in0, sem_g0),
            (yt1, yp1, idx1, rows1, sem_in1, sem_g1),
            (yt2, yp2, idx2, rows2, sem_in2, sem_g2))

    def stage_in(b):
        yt_v, yp_v, idx_v, _, s, _ = bufs[b % 3]
        g = base + b * BLK
        return [
            pltpu.async_copy(yt_hbm.at[pl.ds(g, BLK)], yt_v, s),
            pltpu.async_copy(yp_hbm.at[pl.ds(g, BLK)],
                             yp_v.at[pl.ds(0, BLK)], s),
            pltpu.async_copy(lab_hbm.at[pl.ds(g, BLK)], idx_v, s),
        ]

    def start_gather(b):
        _, _, idx_v, rows_v, _, sg = bufs[b % 3]
        return pltpu.async_copy(al_hbm.at[idx_v], rows_v, sg)

    loss_tot = jnp.zeros((L,), jnp.float32)
    cnt_tot = jnp.zeros((L,), jnp.float32)

    for cp in stage_in(0):
        cp.wait()
    gth = [start_gather(0)]
    pend = stage_in(1)

    for b in range(NBLK):
        yt_v, yp_v, _, rows_v, _, _ = bufs[b % 3]
        if b + 1 < NBLK:
            for cp in pend:
                cp.wait()
            gth.append(start_gather(b + 1))
        if b + 2 < NBLK:
            pend = stage_in(b + 2)
        gth[b].wait()

        def row_body(r, carry, yt_v=yt_v, yp_v=yp_v, rows_v=rows_v):
            loss_acc, cnt_acc = carry
            r16 = pl.multiple_of((r // L) * L, L)
            cvec = jnp.abs(yp_v[pl.ds(r16, L)])
            c = cvec.at[jnp.full((L,), r - r16, jnp.int32)].get(
                mode="promise_in_bounds")
            cnzf = jnp.where(c != 0.0, 1.0, 0.0)
            tailf = jnp.where(iota16 >= N_FULL * L - TAIL_BASE, 1.0, 0.0)
            for j in range(N_FULL + 1):
                masked = j == N_FULL
                col0 = TAIL_BASE if masked else j * L
                q = yt_v[r, pl.ds(col0, L)]
                a = rows_v[r, pl.ds(col0, L)]
                validf = jnp.where(q != 0.0, cnzf, 0.0)
                if masked:
                    validf = validf * tailf
                d = (q - c * jnp.abs(a)) * validf
                loss_acc = loss_acc + d * d
                cnt_acc = cnt_acc + validf
            return loss_acc, cnt_acc

        loss_tot, cnt_tot = lax.fori_loop(
            0, BLK, row_body, (loss_tot, cnt_tot))

    part_v[pl.ds(0, L)] = loss_tot
    part_v[pl.ds(L, L)] = cnt_tot
    pltpu.sync_copy(part_v, out_hbm.at[pl.ds(wid * 2 * L, 2 * L)])


def kernel(y_true, y_pred, alphas):
    eye_pad = jnp.eye(N_RUNS, PAD_W, dtype=jnp.float32)
    al_pad = jnp.dot(alphas, eye_pad,
                     precision=lax.DotAlgorithmPreset.BF16_BF16_F32_X3)
    onehot = jnp.zeros((N_RUNS + 1,), jnp.float32).at[N_RUNS].set(1.0)
    labels = (jnp.dot(y_true, onehot,
                      precision=lax.DotAlgorithmPreset.BF16_BF16_F32_X3)
              + 0.5).astype(jnp.int32)
    parts = _sc_partial_loss(y_true, jnp.reshape(y_pred, (-1,)), labels,
                             al_pad)
    pr = jnp.reshape(parts, (NW, 2, L))
    total_loss = jnp.sum(pr[:, 0, :])
    all_runs = jnp.sum(pr[:, 1, :])
    return total_loss / all_runs

# --- scband reference (transcript-rebuilt; emitter-appended) ---
"""Pipeline reference for scband-custom-loss-layer-21912923144882 (READ-ONLY COPY).

The authoritative reference and input builder live on the scoring server;
editing this copy changes nothing except your own understanding.
"""

import jax, jax.numpy as jnp
import numpy as np

N_PROTEINS = 20000
N_RUNS = 100
BATCH = 16384


def setup_inputs(seed: int = 0) -> dict:
    key = jax.random.key(seed)
    k1, k2, k3, k4 = jax.random.split(key, 4)
    # q_input: observed peptide quantities across runs (some zeros occur naturally via relu-like clip)
    q_input = jnp.abs(jax.random.normal(k1, (BATCH, N_RUNS), dtype=jnp.float32))
    # last column of y_true is the integer protein label (stored as float, cast in forward)
    labels = jax.random.randint(k2, (BATCH,), 0, N_PROTEINS).astype(jnp.float32)
    y_true = jnp.concatenate([q_input, labels[:, None]], axis=1)
    y_pred = jax.random.normal(k3, (BATCH, 1), dtype=jnp.float32)
    # learned variable self.alphas, shape (n_proteins, n_runs)
    alphas = jax.random.normal(k4, (N_PROTEINS, N_RUNS), dtype=jnp.float32)
    return {"y_true": y_true, "y_pred": y_pred, "alphas": alphas}


def reference(y_true, y_pred, alphas):
    # peptide_loss translated faithfully from the Keras layer
    c_pred = jnp.abs(y_pred)
    c_pred = jnp.reshape(c_pred, (-1,))
    q_input = y_true[:, :-1]
    label_input = y_true[:, -1].astype(jnp.int32)
    zero_peptides = (q_input != 0.0).astype(jnp.float32)
    zero_coeffs = (c_pred != 0.0).astype(jnp.float32)
    zero_coeffs = zero_coeffs[:, None]
    corresponding_protein_abundances = jnp.take(jnp.abs(alphas), label_input, axis=0)
    c_pred_e = c_pred[:, None]
    adjusted_abundances = c_pred_e * corresponding_protein_abundances
    differences = q_input - adjusted_abundances
    differences = differences * zero_peptides * zero_coeffs
    differences = jnp.square(differences)
    total_loss = jnp.sum(differences)
    all_runs = jnp.sum(zero_peptides * zero_coeffs)
    avg_loss = total_loss / all_runs
    return avg_loss

if __name__ == "__main__":
    import jax
    _d = setup_inputs()
    print(jax.jit(kernel)(*tuple(_d.values())))

</pallas_src>

<mosaic_0001>
#map = affine_map<(d0, d1) -> (0, 0)>
#map1 = affine_map<(d0, d1) -> (0)>
module attributes {stable_mosaic.version = 14 : i64} {
  func.func @_sc_partial_loss(%arg0: i32, %arg1: i32, %arg2: memref<16384x101xf32, #tpu.memory_space<hbm>>, %arg3: memref<16384xf32, #tpu.memory_space<hbm>>, %arg4: memref<16384xi32, #tpu.memory_space<hbm>>, %arg5: memref<20000x128xf32, #tpu.memory_space<hbm>>, %arg6: memref<1024xf32, #tpu.memory_space<hbm>>, %arg7: memref<128x101xf32, #tpu.memory_space<vmem>>, %arg8: memref<144xf32, #tpu.memory_space<vmem>>, %arg9: memref<128xi32, #tpu.memory_space<vmem>>, %arg10: memref<128x128xf32, #tpu.memory_space<vmem>>, %arg11: memref<128x101xf32, #tpu.memory_space<vmem>>, %arg12: memref<144xf32, #tpu.memory_space<vmem>>, %arg13: memref<128xi32, #tpu.memory_space<vmem>>, %arg14: memref<128x128xf32, #tpu.memory_space<vmem>>, %arg15: memref<128x101xf32, #tpu.memory_space<vmem>>, %arg16: memref<144xf32, #tpu.memory_space<vmem>>, %arg17: memref<128xi32, #tpu.memory_space<vmem>>, %arg18: memref<128x128xf32, #tpu.memory_space<vmem>>, %arg19: memref<32xf32, #tpu.memory_space<vmem>>, %arg20: memref<!tpu.dma_semaphore, #tpu.memory_space<semaphore_mem>>, %arg21: memref<!tpu.dma_semaphore, #tpu.memory_space<semaphore_mem>>, %arg22: memref<!tpu.dma_semaphore, #tpu.memory_space<semaphore_mem>>, %arg23: memref<!tpu.dma_semaphore, #tpu.memory_space<semaphore_mem>>, %arg24: memref<!tpu.dma_semaphore, #tpu.memory_space<semaphore_mem>>, %arg25: memref<!tpu.dma_semaphore, #tpu.memory_space<semaphore_mem>>) attributes {dimension_semantics = [#tpu.dimension_semantics<core_parallel>, #tpu.dimension_semantics<subcore_parallel>], iteration_bounds = array<i64: 2, 16>, scalar_prefetch = 0 : i64, scratch_operands = 19 : i64, tpu.core_type = #tpu.core_type<sc_vector_subcore>, window_params = [{transform_indices = #map}, {transform_indices = #map1}, {transform_indices = #map1}, {transform_indices = #map}, {transform_indices = #map1}]} {
    %mul3A = arith.constant 2 : i32
    %mul3A_0 = arith.muli %arg1, %mul3A : i32
    %add3A = arith.addi %mul3A_0, %arg0 : i32
    %mul3A_1 = arith.constant 512 : i32
    %mul3A_2 = arith.muli %add3A, %mul3A_1 : i32
    %iota3A = tpu.iota {dimensions = array<i32: 0>} : vector<16xi32>
    %broadcast_in_dim3A = arith.constant 0.000000e+00 : f32
    %broadcast_in_dim3A_3 = vector.broadcast %broadcast_in_dim3A : f32 to vector<16xf32>
    %broadcast_in_dim3A_4 = arith.constant 0.000000e+00 : f32
    %broadcast_in_dim3A_5 = vector.broadcast %broadcast_in_dim3A_4 : f32 to vector<16xf32>
    %add3A_6 = arith.constant 0 : i32
    %add3A_7 = arith.addi %mul3A_2, %add3A_6 : i32
    %dma_start3A = arith.constant 0 : i32
    %dma_start3A_8 = tpu.memref_slice %arg2[%add3A_7, %dma_start3A] : memref<16384x101xf32, #tpu.memory_space<hbm>> -> memref<128x101xf32, #tpu.memory_space<hbm>>
    %dma_start3A_9 = arith.constant 0 : i32
    %dma_start3A_10 = tpu.memref_slice %arg2[%add3A_7, %dma_start3A_9] : memref<16384x101xf32, #tpu.memory_space<hbm>> -> memref<128x101xf32, #tpu.memory_space<hbm>>
    tpu.enqueue_dma source(%dma_start3A_10 : memref<128x101xf32, #tpu.memory_space<hbm>>) target(%arg7 : memref<128x101xf32, #tpu.memory_space<vmem>>) target_semaphore(%arg20 : memref<!tpu.dma_semaphore, #tpu.memory_space<semaphore_mem>>)
    %dma_start3A_11 = arith.constant 0 : i32
    %dma_start3A_12 = tpu.memref_slice %arg8[%dma_start3A_11] : memref<144xf32, #tpu.memory_space<vmem>> -> memref<128xf32, #tpu.memory_space<vmem>>
    %dma_start3A_13 = tpu.memref_slice %arg3[%add3A_7] : memref<16384xf32, #tpu.memory_space<hbm>> -> memref<128xf32, #tpu.memory_space<hbm>>
    %dma_start3A_14 = arith.constant 0 : i32
    %dma_start3A_15 = tpu.memref_slice %arg8[%dma_start3A_14] : memref<144xf32, #tpu.memory_space<vmem>> -> memref<128xf32, #tpu.memory_space<vmem>>
    %dma_start3A_16 = tpu.memref_slice %arg3[%add3A_7] : memref<16384xf32, #tpu.memory_space<hbm>> -> memref<128xf32, #tpu.memory_space<hbm>>
    tpu.enqueue_dma source(%dma_start3A_16 : memref<128xf32, #tpu.memory_space<hbm>>) target(%dma_start3A_15 : memref<128xf32, #tpu.memory_space<vmem>>) target_semaphore(%arg20 : memref<!tpu.dma_semaphore, #tpu.memory_space<semaphore_mem>>)
    %dma_start3A_17 = tpu.memref_slice %arg4[%add3A_7] : memref<16384xi32, #tpu.memory_space<hbm>> -> memref<128xi32, #tpu.memory_space<hbm>>
    %dma_start3A_18 = tpu.memref_slice %arg4[%add3A_7] : memref<16384xi32, #tpu.memory_space<hbm>> -> memref<128xi32, #tpu.memory_space<hbm>>
    tpu.enqueue_dma source(%dma_start3A_18 : memref<128xi32, #tpu.memory_space<hbm>>) target(%arg9 : memref<128xi32, #tpu.memory_space<vmem>>) target_semaphore(%arg20 : memref<!tpu.dma_semaphore, #tpu.memory_space<semaphore_mem>>)
    %dma_wait3A = arith.constant 0 : i32
    %dma_wait3A_19 = tpu.memref_slice %arg2[%add3A_7, %dma_wait3A] : memref<16384x101xf32, #tpu.memory_space<hbm>> -> memref<128x101xf32, #tpu.memory_space<hbm>>
    %dma_wait3A_20 = arith.constant 0 : i32
    %dma_wait3A_21 = tpu.memref_slice %arg2[%add3A_7, %dma_wait3A_20] : memref<16384x101xf32, #tpu.memory_space<hbm>> -> memref<128x101xf32, #tpu.memory_space<hbm>>
    tpu.wait_dma2 semaphore(%arg20 : memref<!tpu.dma_semaphore, #tpu.memory_space<semaphore_mem>>) src(%dma_wait3A_21 : memref<128x101xf32, #tpu.memory_space<hbm>>) dst(%arg7 : memref<128x101xf32, #tpu.memory_space<vmem>>)
    %dma_wait3A_22 = arith.constant 0 : i32
    %dma_wait3A_23 = tpu.memref_slice %arg8[%dma_wait3A_22] : memref<144xf32, #tpu.memory_space<vmem>> -> memref<128xf32, #tpu.memory_space<vmem>>
    %dma_wait3A_24 = tpu.memref_slice %arg3[%add3A_7] : memref<16384xf32, #tpu.memory_space<hbm>> -> memref<128xf32, #tpu.memory_space<hbm>>
    %dma_wait3A_25 = arith.constant 0 : i32
    %dma_wait3A_26 = tpu.memref_slice %arg8[%dma_wait3A_25] : memref<144xf32, #tpu.memory_space<vmem>> -> memref<128xf32, #tpu.memory_space<vmem>>
    %dma_wait3A_27 = tpu.memref_slice %arg3[%add3A_7] : memref<16384xf32, #tpu.memory_space<hbm>> -> memref<128xf32, #tpu.memory_space<hbm>>
    tpu.wait_dma2 semaphore(%arg20 : memref<!tpu.dma_semaphore, #tpu.memory_space<semaphore_mem>>) src(%dma_wait3A_27 : memref<128xf32, #tpu.memory_space<hbm>>) dst(%dma_wait3A_26 : memref<128xf32, #tpu.memory_space<vmem>>)
    %dma_wait3A_28 = tpu.memref_slice %arg4[%add3A_7] : memref<16384xi32, #tpu.memory_space<hbm>> -> memref<128xi32, #tpu.memory_space<hbm>>
    %dma_wait3A_29 = tpu.memref_slice %arg4[%add3A_7] : memref<16384xi32, #tpu.memory_space<hbm>> -> memref<128xi32, #tpu.memory_space<hbm>>
    tpu.wait_dma2 semaphore(%arg20 : memref<!tpu.dma_semaphore, #tpu.memory_space<semaphore_mem>>) src(%dma_wait3A_29 : memref<128xi32, #tpu.memory_space<hbm>>) dst(%arg9 : memref<128xi32, #tpu.memory_space<vmem>>)
    %dma_start3A_30 = arith.constant 0 : i32
    %dma_start3A_31 = arith.constant 0 : i32
    %dma_start3A_32 = tpu.memref_slice %arg5[%dma_start3A_30, %dma_start3A_31] : memref<20000x128xf32, #tpu.memory_space<hbm>> -> memref<20000x128xf32, #tpu.memory_space<hbm>>
    tpu.enqueue_indirect_dma source(%dma_start3A_32 : memref<20000x128xf32, #tpu.memory_space<hbm>>) target(%arg10 : memref<128x128xf32, #tpu.memory_space<vmem>>) offsets(%arg9 : memref<128xi32, #tpu.memory_space<vmem>>) semaphore(%arg23 : memref<!tpu.dma_semaphore, #tpu.memory_space<semaphore_mem>>)
    %add3A_33 = arith.constant 128 : i32
    %add3A_34 = arith.addi %mul3A_2, %add3A_33 : i32
    %dma_start3A_35 = arith.constant 0 : i32
    %dma_start3A_36 = tpu.memref_slice %arg2[%add3A_34, %dma_start3A_35] : memref<16384x101xf32, #tpu.memory_space<hbm>> -> memref<128x101xf32, #tpu.memory_space<hbm>>
    %dma_start3A_37 = arith.constant 0 : i32
    %dma_start3A_38 = tpu.memref_slice %arg2[%add3A_34, %dma_start3A_37] : memref<16384x101xf32, #tpu.memory_space<hbm>> -> memref<128x101xf32, #tpu.memory_space<hbm>>
    tpu.enqueue_dma source(%dma_start3A_38 : memref<128x101xf32, #tpu.memory_space<hbm>>) target(%arg11 : memref<128x101xf32, #tpu.memory_space<vmem>>) target_semaphore(%arg21 : memref<!tpu.dma_semaphore, #tpu.memory_space<semaphore_mem>>)
    %dma_start3A_39 = arith.constant 0 : i32
    %dma_start3A_40 = tpu.memref_slice %arg12[%dma_start3A_39] : memref<144xf32, #tpu.memory_space<vmem>> -> memref<128xf32, #tpu.memory_space<vmem>>
    %dma_start3A_41 = tpu.memref_slice %arg3[%add3A_34] : memref<16384xf32, #tpu.memory_space<hbm>> -> memref<128xf32, #tpu.memory_space<hbm>>
    %dma_start3A_42 = arith.constant 0 : i32
    %dma_start3A_43 = tpu.memref_slice %arg12[%dma_start3A_42] : memref<144xf32, #tpu.memory_space<vmem>> -> memref<128xf32, #tpu.memory_space<vmem>>
    %dma_start3A_44 = tpu.memref_slice %arg3[%add3A_34] : memref<16384xf32, #tpu.memory_space<hbm>> -> memref<128xf32, #tpu.memory_space<hbm>>
    tpu.enqueue_dma source(%dma_start3A_44 : memref<128xf32, #tpu.memory_space<hbm>>) target(%dma_start3A_43 : memref<128xf32, #tpu.memory_space<vmem>>) target_semaphore(%arg21 : memref<!tpu.dma_semaphore, #tpu.memory_space<semaphore_mem>>)
    %dma_start3A_45 = tpu.memref_slice %arg4[%add3A_34] : memref<16384xi32, #tpu.memory_space<hbm>> -> memref<128xi32, #tpu.memory_space<hbm>>
    %dma_start3A_46 = tpu.memref_slice %arg4[%add3A_34] : memref<16384xi32, #tpu.memory_space<hbm>> -> memref<128xi32, #tpu.memory_space<hbm>>
    tpu.enqueue_dma source(%dma_start3A_46 : memref<128xi32, #tpu.memory_space<hbm>>) target(%arg13 : memref<128xi32, #tpu.memory_space<vmem>>) target_semaphore(%arg21 : memref<!tpu.dma_semaphore, #tpu.memory_space<semaphore_mem>>)
    %dma_wait3A_47 = arith.constant 0 : i32
    %dma_wait3A_48 = tpu.memref_slice %arg2[%add3A_34, %dma_wait3A_47] : memref<16384x101xf32, #tpu.memory_space<hbm>> -> memref<128x101xf32, #tpu.memory_space<hbm>>
    %dma_wait3A_49 = arith.constant 0 : i32
    %dma_wait3A_50 = tpu.memref_slice %arg2[%add3A_34, %dma_wait3A_49] : memref<16384x101xf32, #tpu.memory_space<hbm>> -> memref<128x101xf32, #tpu.memory_space<hbm>>
    tpu.wait_dma2 semaphore(%arg21 : memref<!tpu.dma_semaphore, #tpu.memory_space<semaphore_mem>>) src(%dma_wait3A_50 : memref<128x101xf32, #tpu.memory_space<hbm>>) dst(%arg11 : memref<128x101xf32, #tpu.memory_space<vmem>>)
    %dma_wait3A_51 = arith.constant 0 : i32
    %dma_wait3A_52 = tpu.memref_slice %arg12[%dma_wait3A_51] : memref<144xf32, #tpu.memory_space<vmem>> -> memref<128xf32, #tpu.memory_space<vmem>>
    %dma_wait3A_53 = tpu.memref_slice %arg3[%add3A_34] : memref<16384xf32, #tpu.memory_space<hbm>> -> memref<128xf32, #tpu.memory_space<hbm>>
    %dma_wait3A_54 = arith.constant 0 : i32
    %dma_wait3A_55 = tpu.memref_slice %arg12[%dma_wait3A_54] : memref<144xf32, #tpu.memory_space<vmem>> -> memref<128xf32, #tpu.memory_space<vmem>>
    %dma_wait3A_56 = tpu.memref_slice %arg3[%add3A_34] : memref<16384xf32, #tpu.memory_space<hbm>> -> memref<128xf32, #tpu.memory_space<hbm>>
    tpu.wait_dma2 semaphore(%arg21 : memref<!tpu.dma_semaphore, #tpu.memory_space<semaphore_mem>>) src(%dma_wait3A_56 : memref<128xf32, #tpu.memory_space<hbm>>) dst(%dma_wait3A_55 : memref<128xf32, #tpu.memory_space<vmem>>)
    %dma_wait3A_57 = tpu.memref_slice %arg4[%add3A_34] : memref<16384xi32, #tpu.memory_space<hbm>> -> memref<128xi32, #tpu.memory_space<hbm>>
    %dma_wait3A_58 = tpu.memref_slice %arg4[%add3A_34] : memref<16384xi32, #tpu.memory_space<hbm>> -> memref<128xi32, #tpu.memory_space<hbm>>
    tpu.wait_dma2 semaphore(%arg21 : memref<!tpu.dma_semaphore, #tpu.memory_space<semaphore_mem>>) src(%dma_wait3A_58 : memref<128xi32, #tpu.memory_space<hbm>>) dst(%arg13 : memref<128xi32, #tpu.memory_space<vmem>>)
    %dma_start3A_59 = arith.constant 0 : i32
    %dma_start3A_60 = arith.constant 0 : i32
    %dma_start3A_61 = tpu.memref_slice %arg5[%dma_start3A_59, %dma_start3A_60] : memref<20000x128xf32, #tpu.memory_space<hbm>> -> memref<20000x128xf32, #tpu.memory_space<hbm>>
    tpu.enqueue_indirect_dma source(%dma_start3A_61 : memref<20000x128xf32, #tpu.memory_space<hbm>>) target(%arg14 : memref<128x128xf32, #tpu.memory_space<vmem>>) offsets(%arg13 : memref<128xi32, #tpu.memory_space<vmem>>) semaphore(%arg24 : memref<!tpu.dma_semaphore, #tpu.memory_space<semaphore_mem>>)
    %add3A_62 = arith.constant 256 : i32
    %add3A_63 = arith.addi %mul3A_2, %add3A_62 : i32
    %dma_start3A_64 = arith.constant 0 : i32
    %dma_start3A_65 = tpu.memref_slice %arg2[%add3A_63, %dma_start3A_64] : memref<16384x101xf32, #tpu.memory_space<hbm>> -> memref<128x101xf32, #tpu.memory_space<hbm>>
    %dma_start3A_66 = arith.constant 0 : i32
    %dma_start3A_67 = tpu.memref_slice %arg2[%add3A_63, %dma_start3A_66] : memref<16384x101xf32, #tpu.memory_space<hbm>> -> memref<128x101xf32, #tpu.memory_space<hbm>>
    tpu.enqueue_dma source(%dma_start3A_67 : memref<128x101xf32, #tpu.memory_space<hbm>>) target(%arg15 : memref<128x101xf32, #tpu.memory_space<vmem>>) target_semaphore(%arg22 : memref<!tpu.dma_semaphore, #tpu.memory_space<semaphore_mem>>)
    %dma_start3A_68 = arith.constant 0 : i32
    %dma_start3A_69 = tpu.memref_slice %arg16[%dma_start3A_68] : memref<144xf32, #tpu.memory_space<vmem>> -> memref<128xf32, #tpu.memory_space<vmem>>
    %dma_start3A_70 = tpu.memref_slice %arg3[%add3A_63] : memref<16384xf32, #tpu.memory_space<hbm>> -> memref<128xf32, #tpu.memory_space<hbm>>
    %dma_start3A_71 = arith.constant 0 : i32
    %dma_start3A_72 = tpu.memref_slice %arg16[%dma_start3A_71] : memref<144xf32, #tpu.memory_space<vmem>> -> memref<128xf32, #tpu.memory_space<vmem>>
    %dma_start3A_73 = tpu.memref_slice %arg3[%add3A_63] : memref<16384xf32, #tpu.memory_space<hbm>> -> memref<128xf32, #tpu.memory_space<hbm>>
    tpu.enqueue_dma source(%dma_start3A_73 : memref<128xf32, #tpu.memory_space<hbm>>) target(%dma_start3A_72 : memref<128xf32, #tpu.memory_space<vmem>>) target_semaphore(%arg22 : memref<!tpu.dma_semaphore, #tpu.memory_space<semaphore_mem>>)
    %dma_start3A_74 = tpu.memref_slice %arg4[%add3A_63] : memref<16384xi32, #tpu.memory_space<hbm>> -> memref<128xi32, #tpu.memory_space<hbm>>
    %dma_start3A_75 = tpu.memref_slice %arg4[%add3A_63] : memref<16384xi32, #tpu.memory_space<hbm>> -> memref<128xi32, #tpu.memory_space<hbm>>
    tpu.enqueue_dma source(%dma_start3A_75 : memref<128xi32, #tpu.memory_space<hbm>>) target(%arg17 : memref<128xi32, #tpu.memory_space<vmem>>) target_semaphore(%arg22 : memref<!tpu.dma_semaphore, #tpu.memory_space<semaphore_mem>>)
    %dma_wait3A_76 = arith.constant 0 : i32
    %dma_wait3A_77 = arith.constant 0 : i32
    %dma_wait3A_78 = tpu.memref_slice %arg5[%dma_wait3A_76, %dma_wait3A_77] : memref<20000x128xf32, #tpu.memory_space<hbm>> -> memref<20000x128xf32, #tpu.memory_space<hbm>>
    tpu.wait_indirect_dma semaphore(%arg23 : memref<!tpu.dma_semaphore, #tpu.memory_space<semaphore_mem>>) src(%dma_wait3A_78 : memref<20000x128xf32, #tpu.memory_space<hbm>>) dst(%arg10 : memref<128x128xf32, #tpu.memory_space<vmem>>)
    %scan3A = arith.constant 0 : i32
    %scan3A_79 = arith.constant 128 : i32
    %scan3A_80 = arith.addi %scan3A, %scan3A_79 : i32
    %scan3A_81 = arith.constant 1 : i32
    %scan3A_82:2 = scf.for %scan3A_166 = %scan3A to %scan3A_80 step %scan3A_81 iter_args(%scan3A_167 = %broadcast_in_dim3A_3, %scan3A_168 = %broadcast_in_dim3A_5) -> (vector<16xf32>, vector<16xf32>)  : i32 {
      %jit3A = arith.constant 16 : i32
      %div3A = arith.divsi %scan3A_166, %jit3A : i32
      %sign3A = arith.constant 0 : i32
      %sign3A_169 = arith.cmpi sgt, %scan3A_166, %sign3A : i32
      %sign3A_170 = arith.extui %sign3A_169 : i1 to i32
      %sign3A_171 = arith.constant 0 : i32
      %sign3A_172 = arith.cmpi slt, %scan3A_166, %sign3A_171 : i32
      %sign3A_173 = arith.extui %sign3A_172 : i1 to i32
      %sign3A_174 = arith.subi %sign3A_170, %sign3A_173 : i32
      %sign3A_175 = arith.constant 0 : i32
      %sign3A_176 = arith.cmpi sgt, %jit3A, %sign3A_175 : i32
      %sign3A_177 = arith.extui %sign3A_176 : i1 to i32
      %sign3A_178 = arith.constant 0 : i32
      %sign3A_179 = arith.cmpi slt, %jit3A, %sign3A_178 : i32
      %sign3A_180 = arith.extui %sign3A_179 : i1 to i32
      %sign3A_181 = arith.subi %sign3A_177, %sign3A_180 : i32
      %ne3A = arith.cmpi ne, %sign3A_174, %sign3A_181 : i32
      %rem3A = arith.remsi %scan3A_166, %jit3A : i32
      %ne3A_182 = arith.constant 0 : i32
      %ne3A_183 = arith.cmpi ne, %rem3A, %ne3A_182 : i32
      %and3A = arith.andi %ne3A, %ne3A_183 : i1
      %sub3A = arith.constant 1 : i32
      %sub3A_184 = arith.subi %div3A, %sub3A : i32
      %select_n3A = arith.select %and3A, %sub3A_184, %div3A : i32
      %mul3A_185 = arith.constant 16 : i32
      %mul3A_186 = arith.muli %select_n3A, %mul3A_185 : i32
      %multiple_of3A = tpu.assume_multiple %mul3A_186, 16 : i32
      %get3A = arith.index_cast %multiple_of3A : i32 to index
      %get3A_187 = tpu.vector_load %arg8[%get3A] {strides = array<i32>} : memref<144xf32, #tpu.memory_space<vmem>>, vector<16xf32>,
      %get3A_188 = vector.shape_cast %get3A_187 : vector<16xf32> to vector<16xf32>
      %abs3A = math.absf %get3A_188 : vector<16xf32>
      %sub3A_189 = arith.subi %scan3A_166, %multiple_of3A : i32
      %broadcast_in_dim3A_190 = vector.broadcast %sub3A_189 : i32 to vector<16xi32>
      %lt3A = arith.constant 0 : i32
      %lt3A_191 = vector.broadcast %lt3A : i32 to vector<16xi32>
      %lt3A_192 = arith.cmpi slt, %broadcast_in_dim3A_190, %lt3A_191 : vector<16xi32>
      %add3A_193 = arith.constant 16 : i32
      %add3A_194 = vector.broadcast %add3A_193 : i32 to vector<16xi32>
      %add3A_195 = arith.addi %broadcast_in_dim3A_190, %add3A_194 : vector<16xi32>
      %select_n3A_196 = arith.select %lt3A_192, %add3A_195, %broadcast_in_dim3A_190 : vector<16xi1>, vector<16xi32>
      %broadcast_in_dim3A_197 = vector.shape_cast %select_n3A_196 : vector<16xi32> to vector<16x1xi32>
      %gather3A = vector.shape_cast %broadcast_in_dim3A_197 : vector<16x1xi32> to vector<16xi32>
      %gather3A_198 = tpu.dynamic_gather %abs3A[%gather3A] in [0] : vector<16xf32>, vector<16xi32> -> vector<16xf32>
      %ne3A_199 = arith.constant 0.000000e+00 : f32
      %ne3A_200 = vector.broadcast %ne3A_199 : f32 to vector<16xf32>
      %ne3A_201 = arith.cmpf one, %gather3A_198, %ne3A_200 : vector<16xf32>
      %jit3A_202 = arith.constant 1.000000e+00 : f32
      %jit3A_203 = arith.constant 0.000000e+00 : f32
      %broadcast_in_dim3A_204 = vector.broadcast %jit3A_202 : f32 to vector<16xf32>
      %broadcast_in_dim3A_205 = vector.broadcast %jit3A_203 : f32 to vector<16xf32>
      %select_n3A_206 = arith.select %ne3A_201, %broadcast_in_dim3A_204, %broadcast_in_dim3A_205 : vector<16xi1>, vector<16xf32>
      %ge3A = arith.constant 12 : i32
      %ge3A_207 = vector.broadcast %ge3A : i32 to vector<16xi32>
      %ge3A_208 = arith.cmpi sge, %iota3A, %ge3A_207 : vector<16xi32>
      %jit3A_209 = arith.constant 1.000000e+00 : f32
      %jit3A_210 = arith.constant 0.000000e+00 : f32
      %broadcast_in_dim3A_211 = vector.broadcast %jit3A_209 : f32 to vector<16xf32>
      %broadcast_in_dim3A_212 = vector.broadcast %jit3A_210 : f32 to vector<16xf32>
      %select_n3A_213 = arith.select %ge3A_208, %broadcast_in_dim3A_211, %broadcast_in_dim3A_212 : vector<16xi1>, vector<16xf32>
      %get3A_214 = arith.index_cast %scan3A_166 : i32 to index
      %get3A_215 = arith.constant 0 : index
      %get3A_216 = tpu.vector_load %arg7[%get3A_214, %get3A_215] {strides = array<i32>} : memref<128x101xf32, #tpu.memory_space<vmem>>, vector<1x16xf32>,
      %get3A_217 = vector.shape_cast %get3A_216 : vector<1x16xf32> to vector<16xf32>
      %get3A_218 = arith.index_cast %scan3A_166 : i32 to index
      %get3A_219 = arith.constant 0 : index
      %get3A_220 = tpu.vector_load %arg10[%get3A_218, %get3A_219] {strides = array<i32>} : memref<128x128xf32, #tpu.memory_space<vmem>>, vector<1x16xf32>,
      %get3A_221 = vector.shape_cast %get3A_220 : vector<1x16xf32> to vector<16xf32>
      %ne3A_222 = arith.constant 0.000000e+00 : f32
      %ne3A_223 = vector.broadcast %ne3A_222 : f32 to vector<16xf32>
      %ne3A_224 = arith.cmpf one, %get3A_217, %ne3A_223 : vector<16xf32>
      %jit3A_225 = arith.constant 0.000000e+00 : f32
      %broadcast_in_dim3A_226 = vector.broadcast %jit3A_225 : f32 to vector<16xf32>
      %select_n3A_227 = arith.select %ne3A_224, %select_n3A_206, %broadcast_in_dim3A_226 : vector<16xi1>, vector<16xf32>
      %abs3A_228 = math.absf %get3A_221 : vector<16xf32>
      %mul3A_229 = arith.mulf %gather3A_198, %abs3A_228 : vector<16xf32>
      %sub3A_230 = arith.subf %get3A_217, %mul3A_229 : vector<16xf32>
      %mul3A_231 = arith.mulf %sub3A_230, %select_n3A_227 : vector<16xf32>
      %mul3A_232 = arith.mulf %mul3A_231, %mul3A_231 : vector<16xf32>
      %add3A_233 = arith.addf %scan3A_167, %mul3A_232 : vector<16xf32>
      %add3A_234 = arith.addf %scan3A_168, %select_n3A_227 : vector<16xf32>
      %get3A_235 = arith.index_cast %scan3A_166 : i32 to index
      %get3A_236 = arith.constant 16 : index
      %get3A_237 = tpu.vector_load %arg7[%get3A_235, %get3A_236] {strides = array<i32>} : memref<128x101xf32, #tpu.memory_space<vmem>>, vector<1x16xf32>,
      %get3A_238 = vector.shape_cast %get3A_237 : vector<1x16xf32> to vector<16xf32>
      %get3A_239 = arith.index_cast %scan3A_166 : i32 to index
      %get3A_240 = arith.constant 16 : index
      %get3A_241 = tpu.vector_load %arg10[%get3A_239, %get3A_240] {strides = array<i32>} : memref<128x128xf32, #tpu.memory_space<vmem>>, vector<1x16xf32>,
      %get3A_242 = vector.shape_cast %get3A_241 : vector<1x16xf32> to vector<16xf32>
      %ne3A_243 = arith.constant 0.000000e+00 : f32
      %ne3A_244 = vector.broadcast %ne3A_243 : f32 to vector<16xf32>
      %ne3A_245 = arith.cmpf one, %get3A_238, %ne3A_244 : vector<16xf32>
      %jit3A_246 = arith.constant 0.000000e+00 : f32
      %broadcast_in_dim3A_247 = vector.broadcast %jit3A_246 : f32 to vector<16xf32>
      %select_n3A_248 = arith.select %ne3A_245, %select_n3A_206, %broadcast_in_dim3A_247 : vector<16xi1>, vector<16xf32>
      %abs3A_249 = math.absf %get3A_242 : vector<16xf32>
      %mul3A_250 = arith.mulf %gather3A_198, %abs3A_249 : vector<16xf32>
      %sub3A_251 = arith.subf %get3A_238, %mul3A_250 : vector<16xf32>
      %mul3A_252 = arith.mulf %sub3A_251, %select_n3A_248 : vector<16xf32>
      %mul3A_253 = arith.mulf %mul3A_252, %mul3A_252 : vector<16xf32>
      %add3A_254 = arith.addf %add3A_233, %mul3A_253 : vector<16xf32>
      %add3A_255 = arith.addf %add3A_234, %select_n3A_248 : vector<16xf32>
      %get3A_256 = arith.index_cast %scan3A_166 : i32 to index
      %get3A_257 = arith.constant 32 : index
      %get3A_258 = tpu.vector_load %arg7[%get3A_256, %get3A_257] {strides = array<i32>} : memref<128x101xf32, #tpu.memory_space<vmem>>, vector<1x16xf32>,
      %get3A_259 = vector.shape_cast %get3A_258 : vector<1x16xf32> to vector<16xf32>
      %get3A_260 = arith.index_cast %scan3A_166 : i32 to index
      %get3A_261 = arith.constant 32 : index
      %get3A_262 = tpu.vector_load %arg10[%get3A_260, %get3A_261] {strides = array<i32>} : memref<128x128xf32, #tpu.memory_space<vmem>>, vector<1x16xf32>,
      %get3A_263 = vector.shape_cast %get3A_262 : vector<1x16xf32> to vector<16xf32>
      %ne3A_264 = arith.constant 0.000000e+00 : f32
      %ne3A_265 = vector.broadcast %ne3A_264 : f32 to vector<16xf32>
      %ne3A_266 = arith.cmpf one, %get3A_259, %ne3A_265 : vector<16xf32>
      %jit3A_267 = arith.constant 0.000000e+00 : f32
      %broadcast_in_dim3A_268 = vector.broadcast %jit3A_267 : f32 to vector<16xf32>
      %select_n3A_269 = arith.select %ne3A_266, %select_n3A_206, %broadcast_in_dim3A_268 : vector<16xi1>, vector<16xf32>
      %abs3A_270 = math.absf %get3A_263 : vector<16xf32>
      %mul3A_271 = arith.mulf %gather3A_198, %abs3A_270 : vector<16xf32>
      %sub3A_272 = arith.subf %get3A_259, %mul3A_271 : vector<16xf32>
      %mul3A_273 = arith.mulf %sub3A_272, %select_n3A_269 : vector<16xf32>
      %mul3A_274 = arith.mulf %mul3A_273, %mul3A_273 : vector<16xf32>
      %add3A_275 = arith.addf %add3A_254, %mul3A_274 : vector<16xf32>
      %add3A_276 = arith.addf %add3A_255, %select_n3A_269 : vector<16xf32>
      %get3A_277 = arith.index_cast %scan3A_166 : i32 to index
      %get3A_278 = arith.constant 48 : index
      %get3A_279 = tpu.vector_load %arg7[%get3A_277, %get3A_278] {strides = array<i32>} : memref<128x101xf32, #tpu.memory_space<vmem>>, vector<1x16xf32>,
      %get3A_280 = vector.shape_cast %get3A_279 : vector<1x16xf32> to vector<16xf32>
      %get3A_281 = arith.index_cast %scan3A_166 : i32 to index
      %get3A_282 = arith.constant 48 : index
      %get3A_283 = tpu.vector_load %arg10[%get3A_281, %get3A_282] {strides = array<i32>} : memref<128x128xf32, #tpu.memory_space<vmem>>, vector<1x16xf32>,
      %get3A_284 = vector.shape_cast %get3A_283 : vector<1x16xf32> to vector<16xf32>
      %ne3A_285 = arith.constant 0.000000e+00 : f32
      %ne3A_286 = vector.broadcast %ne3A_285 : f32 to vector<16xf32>
      %ne3A_287 = arith.cmpf one, %get3A_280, %ne3A_286 : vector<16xf32>
      %jit3A_288 = arith.constant 0.000000e+00 : f32
      %broadcast_in_dim3A_289 = vector.broadcast %jit3A_288 : f32 to vector<16xf32>
      %select_n3A_290 = arith.select %ne3A_287, %select_n3A_206, %broadcast_in_dim3A_289 : vector<16xi1>, vector<16xf32>
      %abs3A_291 = math.absf %get3A_284 : vector<16xf32>
      %mul3A_292 = arith.mulf %gather3A_198, %abs3A_291 : vector<16xf32>
      %sub3A_293 = arith.subf %get3A_280, %mul3A_292 : vector<16xf32>
      %mul3A_294 = arith.mulf %sub3A_293, %select_n3A_290 : vector<16xf32>
      %mul3A_295 = arith.mulf %mul3A_294, %mul3A_294 : vector<16xf32>
      %add3A_296 = arith.addf %add3A_275, %mul3A_295 : vector<16xf32>
      %add3A_297 = arith.addf %add3A_276, %select_n3A_290 : vector<16xf32>
      %get3A_298 = arith.index_cast %scan3A_166 : i32 to index
      %get3A_299 = arith.constant 64 : index
      %get3A_300 = tpu.vector_load %arg7[%get3A_298, %get3A_299] {strides = array<i32>} : memref<128x101xf32, #tpu.memory_space<vmem>>, vector<1x16xf32>,
      %get3A_301 = vector.shape_cast %get3A_300 : vector<1x16xf32> to vector<16xf32>
      %get3A_302 = arith.index_cast %scan3A_166 : i32 to index
      %get3A_303 = arith.constant 64 : index
      %get3A_304 = tpu.vector_load %arg10[%get3A_302, %get3A_303] {strides = array<i32>} : memref<128x128xf32, #tpu.memory_space<vmem>>, vector<1x16xf32>,
      %get3A_305 = vector.shape_cast %get3A_304 : vector<1x16xf32> to vector<16xf32>
      %ne3A_306 = arith.constant 0.000000e+00 : f32
      %ne3A_307 = vector.broadcast %ne3A_306 : f32 to vector<16xf32>
      %ne3A_308 = arith.cmpf one, %get3A_301, %ne3A_307 : vector<16xf32>
      %jit3A_309 = arith.constant 0.000000e+00 : f32
      %broadcast_in_dim3A_310 = vector.broadcast %jit3A_309 : f32 to vector<16xf32>
      %select_n3A_311 = arith.select %ne3A_308, %select_n3A_206, %broadcast_in_dim3A_310 : vector<16xi1>, vector<16xf32>
      %abs3A_312 = math.absf %get3A_305 : vector<16xf32>
      %mul3A_313 = arith.mulf %gather3A_198, %abs3A_312 : vector<16xf32>
      %sub3A_314 = arith.subf %get3A_301, %mul3A_313 : vector<16xf32>
      %mul3A_315 = arith.mulf %sub3A_314, %select_n3A_311 : vector<16xf32>
      %mul3A_316 = arith.mulf %mul3A_315, %mul3A_315 : vector<16xf32>
      %add3A_317 = arith.addf %add3A_296, %mul3A_316 : vector<16xf32>
      %add3A_318 = arith.addf %add3A_297, %select_n3A_311 : vector<16xf32>
      %get3A_319 = arith.index_cast %scan3A_166 : i32 to index
      %get3A_320 = arith.constant 80 : index
      %get3A_321 = tpu.vector_load %arg7[%get3A_319, %get3A_320] {strides = array<i32>} : memref<128x101xf32, #tpu.memory_space<vmem>>, vector<1x16xf32>,
      %get3A_322 = vector.shape_cast %get3A_321 : vector<1x16xf32> to vector<16xf32>
      %get3A_323 = arith.index_cast %scan3A_166 : i32 to index
      %get3A_324 = arith.constant 80 : index
      %get3A_325 = tpu.vector_load %arg10[%get3A_323, %get3A_324] {strides = array<i32>} : memref<128x128xf32, #tpu.memory_space<vmem>>, vector<1x16xf32>,
      %get3A_326 = vector.shape_cast %get3A_325 : vector<1x16xf32> to vector<16xf32>
      %ne3A_327 = arith.constant 0.000000e+00 : f32
      %ne3A_328 = vector.broadcast %ne3A_327 : f32 to vector<16xf32>
      %ne3A_329 = arith.cmpf one, %get3A_322, %ne3A_328 : vector<16xf32>
      %jit3A_330 = arith.constant 0.000000e+00 : f32
      %broadcast_in_dim3A_331 = vector.broadcast %jit3A_330 : f32 to vector<16xf32>
      %select_n3A_332 = arith.select %ne3A_329, %select_n3A_206, %broadcast_in_dim3A_331 : vector<16xi1>, vector<16xf32>
      %abs3A_333 = math.absf %get3A_326 : vector<16xf32>
      %mul3A_334 = arith.mulf %gather3A_198, %abs3A_333 : vector<16xf32>
      %sub3A_335 = arith.subf %get3A_322, %mul3A_334 : vector<16xf32>
      %mul3A_336 = arith.mulf %sub3A_335, %select_n3A_332 : vector<16xf32>
      %mul3A_337 = arith.mulf %mul3A_336, %mul3A_336 : vector<16xf32>
      %add3A_338 = arith.addf %add3A_317, %mul3A_337 : vector<16xf32>
      %add3A_339 = arith.addf %add3A_318, %select_n3A_332 : vector<16xf32>
      %get3A_340 = arith.index_cast %scan3A_166 : i32 to index
      %get3A_341 = arith.constant 84 : index
      %get3A_342 = tpu.vector_load %arg7[%get3A_340, %get3A_341] {strides = array<i32>} : memref<128x101xf32, #tpu.memory_space<vmem>>, vector<1x16xf32>,
      %get3A_343 = vector.shape_cast %get3A_342 : vector<1x16xf32> to vector<16xf32>
      %get3A_344 = arith.index_cast %scan3A_166 : i32 to index
      %get3A_345 = arith.constant 84 : index
      %get3A_346 = tpu.vector_load %arg10[%get3A_344, %get3A_345] {strides = array<i32>} : memref<128x128xf32, #tpu.memory_space<vmem>>, vector<1x16xf32>,
      %get3A_347 = vector.shape_cast %get3A_346 : vector<1x16xf32> to vector<16xf32>
      %ne3A_348 = arith.constant 0.000000e+00 : f32
      %ne3A_349 = vector.broadcast %ne3A_348 : f32 to vector<16xf32>
      %ne3A_350 = arith.cmpf one, %get3A_343, %ne3A_349 : vector<16xf32>
      %jit3A_351 = arith.constant 0.000000e+00 : f32
      %broadcast_in_dim3A_352 = vector.broadcast %jit3A_351 : f32 to vector<16xf32>
      %select_n3A_353 = arith.select %ne3A_350, %select_n3A_206, %broadcast_in_dim3A_352 : vector<16xi1>, vector<16xf32>
      %mul3A_354 = arith.mulf %select_n3A_353, %select_n3A_213 : vector<16xf32>
      %abs3A_355 = math.absf %get3A_347 : vector<16xf32>
      %mul3A_356 = arith.mulf %gather3A_198, %abs3A_355 : vector<16xf32>
      %sub3A_357 = arith.subf %get3A_343, %mul3A_356 : vector<16xf32>
      %mul3A_358 = arith.mulf %sub3A_357, %mul3A_354 : vector<16xf32>
      %mul3A_359 = arith.mulf %mul3A_358, %mul3A_358 : vector<16xf32>
      %add3A_360 = arith.addf %add3A_338, %mul3A_359 : vector<16xf32>
      %add3A_361 = arith.addf %add3A_339, %mul3A_354 : vector<16xf32>
      scf.yield %add3A_360, %add3A_361 : vector<16xf32>, vector<16xf32>
    }
    %scan3A_83 = arith.constant 128 : i32
    %dma_wait3A_84 = arith.constant 0 : i32
    %dma_wait3A_85 = tpu.memref_slice %arg2[%add3A_63, %dma_wait3A_84] : memref<16384x101xf32, #tpu.memory_space<hbm>> -> memref<128x101xf32, #tpu.memory_space<hbm>>
    %dma_wait3A_86 = arith.constant 0 : i32
    %dma_wait3A_87 = tpu.memref_slice %arg2[%add3A_63, %dma_wait3A_86] : memref<16384x101xf32, #tpu.memory_space<hbm>> -> memref<128x101xf32, #tpu.memory_space<hbm>>
    tpu.wait_dma2 semaphore(%arg22 : memref<!tpu.dma_semaphore, #tpu.memory_space<semaphore_mem>>) src(%dma_wait3A_87 : memref<128x101xf32, #tpu.memory_space<hbm>>) dst(%arg15 : memref<128x101xf32, #tpu.memory_space<vmem>>)
    %dma_wait3A_88 = arith.constant 0 : i32
    %dma_wait3A_89 = tpu.memref_slice %arg16[%dma_wait3A_88] : memref<144xf32, #tpu.memory_space<vmem>> -> memref<128xf32, #tpu.memory_space<vmem>>
    %dma_wait3A_90 = tpu.memref_slice %arg3[%add3A_63] : memref<16384xf32, #tpu.memory_space<hbm>> -> memref<128xf32, #tpu.memory_space<hbm>>
    %dma_wait3A_91 = arith.constant 0 : i32
    %dma_wait3A_92 = tpu.memref_slice %arg16[%dma_wait3A_91] : memref<144xf32, #tpu.memory_space<vmem>> -> memref<128xf32, #tpu.memory_space<vmem>>
    %dma_wait3A_93 = tpu.memref_slice %arg3[%add3A_63] : memref<16384xf32, #tpu.memory_space<hbm>> -> memref<128xf32, #tpu.memory_space<hbm>>
    tpu.wait_dma2 semaphore(%arg22 : memref<!tpu.dma_semaphore, #tpu.memory_space<semaphore_mem>>) src(%dma_wait3A_93 : memref<128xf32, #tpu.memory_space<hbm>>) dst(%dma_wait3A_92 : memref<128xf32, #tpu.memory_space<vmem>>)
    %dma_wait3A_94 = tpu.memref_slice %arg4[%add3A_63] : memref<16384xi32, #tpu.memory_space<hbm>> -> memref<128xi32, #tpu.memory_space<hbm>>
    %dma_wait3A_95 = tpu.memref_slice %arg4[%add3A_63] : memref<16384xi32, #tpu.memory_space<hbm>> -> memref<128xi32, #tpu.memory_space<hbm>>
    tpu.wait_dma2 semaphore(%arg22 : memref<!tpu.dma_semaphore, #tpu.memory_space<semaphore_mem>>) src(%dma_wait3A_95 : memref<128xi32, #tpu.memory_space<hbm>>) dst(%arg17 : memref<128xi32, #tpu.memory_space<vmem>>)
    %dma_start3A_96 = arith.constant 0 : i32
    %dma_start3A_97 = arith.constant 0 : i32
    %dma_start3A_98 = tpu.memref_slice %arg5[%dma_start3A_96, %dma_start3A_97] : memref<20000x128xf32, #tpu.memory_space<hbm>> -> memref<20000x128xf32, #tpu.memory_space<hbm>>
    tpu.enqueue_indirect_dma source(%dma_start3A_98 : memref<20000x128xf32, #tpu.memory_space<hbm>>) target(%arg18 : memref<128x128xf32, #tpu.memory_space<vmem>>) offsets(%arg17 : memref<128xi32, #tpu.memory_space<vmem>>) semaphore(%arg25 : memref<!tpu.dma_semaphore, #tpu.memory_space<semaphore_mem>>)
    %add3A_99 = arith.constant 384 : i32
    %add3A_100 = arith.addi %mul3A_2, %add3A_99 : i32
    %dma_start3A_101 = arith.constant 0 : i32
    %dma_start3A_102 = tpu.memref_slice %arg2[%add3A_100, %dma_start3A_101] : memref<16384x101xf32, #tpu.memory_space<hbm>> -> memref<128x101xf32, #tpu.memory_space<hbm>>
    %dma_start3A_103 = arith.constant 0 : i32
    %dma_start3A_104 = tpu.memref_slice %arg2[%add3A_100, %dma_start3A_103] : memref<16384x101xf32, #tpu.memory_space<hbm>> -> memref<128x101xf32, #tpu.memory_space<hbm>>
    tpu.enqueue_dma source(%dma_start3A_104 : memref<128x101xf32, #tpu.memory_space<hbm>>) target(%arg7 : memref<128x101xf32, #tpu.memory_space<vmem>>) target_semaphore(%arg20 : memref<!tpu.dma_semaphore, #tpu.memory_space<semaphore_mem>>)
    %dma_start3A_105 = arith.constant 0 : i32
    %dma_start3A_106 = tpu.memref_slice %arg8[%dma_start3A_105] : memref<144xf32, #tpu.memory_space<vmem>> -> memref<128xf32, #tpu.memory_space<vmem>>
    %dma_start3A_107 = tpu.memref_slice %arg3[%add3A_100] : memref<16384xf32, #tpu.memory_space<hbm>> -> memref<128xf32, #tpu.memory_space<hbm>>
    %dma_start3A_108 = arith.constant 0 : i32
    %dma_start3A_109 = tpu.memref_slice %arg8[%dma_start3A_108] : memref<144xf32, #tpu.memory_space<vmem>> -> memref<128xf32, #tpu.memory_space<vmem>>
    %dma_start3A_110 = tpu.memref_slice %arg3[%add3A_100] : memref<16384xf32, #tpu.memory_space<hbm>> -> memref<128xf32, #tpu.memory_space<hbm>>
    tpu.enqueue_dma source(%dma_start3A_110 : memref<128xf32, #tpu.memory_space<hbm>>) target(%dma_start3A_109 : memref<128xf32, #tpu.memory_space<vmem>>) target_semaphore(%arg20 : memref<!tpu.dma_semaphore, #tpu.memory_space<semaphore_mem>>)
    %dma_start3A_111 = tpu.memref_slice %arg4[%add3A_100] : memref<16384xi32, #tpu.memory_space<hbm>> -> memref<128xi32, #tpu.memory_space<hbm>>
    %dma_start3A_112 = tpu.memref_slice %arg4[%add3A_100] : memref<16384xi32, #tpu.memory_space<hbm>> -> memref<128xi32, #tpu.memory_space<hbm>>
    tpu.enqueue_dma source(%dma_start3A_112 : memref<128xi32, #tpu.memory_space<hbm>>) target(%arg9 : memref<128xi32, #tpu.memory_space<vmem>>) target_semaphore(%arg20 : memref<!tpu.dma_semaphore, #tpu.memory_space<semaphore_mem>>)
    %dma_wait3A_113 = arith.constant 0 : i32
    %dma_wait3A_114 = arith.constant 0 : i32
    %dma_wait3A_115 = tpu.memref_slice %arg5[%dma_wait3A_113, %dma_wait3A_114] : memref<20000x128xf32, #tpu.memory_space<hbm>> -> memref<20000x128xf32, #tpu.memory_space<hbm>>
    tpu.wait_indirect_dma semaphore(%arg24 : memref<!tpu.dma_semaphore, #tpu.memory_space<semaphore_mem>>) src(%dma_wait3A_115 : memref<20000x128xf32, #tpu.memory_space<hbm>>) dst(%arg14 : memref<128x128xf32, #tpu.memory_space<vmem>>)
    %scan3A_116 = arith.constant 0 : i32
    %scan3A_117 = arith.constant 128 : i32
    %scan3A_118 = arith.addi %scan3A_116, %scan3A_117 : i32
    %scan3A_119 = arith.constant 1 : i32
    %scan3A_120:2 = scf.for %scan3A_166 = %scan3A_116 to %scan3A_118 step %scan3A_119 iter_args(%scan3A_167 = %scan3A_82#0, %scan3A_168 = %scan3A_82#1) -> (vector<16xf32>, vector<16xf32>)  : i32 {
      %jit3A = arith.constant 16 : i32
      %div3A = arith.divsi %scan3A_166, %jit3A : i32
      %sign3A = arith.constant 0 : i32
      %sign3A_169 = arith.cmpi sgt, %scan3A_166, %sign3A : i32
      %sign3A_170 = arith.extui %sign3A_169 : i1 to i32
      %sign3A_171 = arith.constant 0 : i32
      %sign3A_172 = arith.cmpi slt, %scan3A_166, %sign3A_171 : i32
      %sign3A_173 = arith.extui %sign3A_172 : i1 to i32
      %sign3A_174 = arith.subi %sign3A_170, %sign3A_173 : i32
      %sign3A_175 = arith.constant 0 : i32
      %sign3A_176 = arith.cmpi sgt, %jit3A, %sign3A_175 : i32
      %sign3A_177 = arith.extui %sign3A_176 : i1 to i32
      %sign3A_178 = arith.constant 0 : i32
      %sign3A_179 = arith.cmpi slt, %jit3A, %sign3A_178 : i32
      %sign3A_180 = arith.extui %sign3A_179 : i1 to i32
      %sign3A_181 = arith.subi %sign3A_177, %sign3A_180 : i32
      %ne3A = arith.cmpi ne, %sign3A_174, %sign3A_181 : i32
      %rem3A = arith.remsi %scan3A_166, %jit3A : i32
      %ne3A_182 = arith.constant 0 : i32
      %ne3A_183 = arith.cmpi ne, %rem3A, %ne3A_182 : i32
      %and3A = arith.andi %ne3A, %ne3A_183 : i1
      %sub3A = arith.constant 1 : i32
      %sub3A_184 = arith.subi %div3A, %sub3A : i32
      %select_n3A = arith.select %and3A, %sub3A_184, %div3A : i32
      %mul3A_185 = arith.constant 16 : i32
      %mul3A_186 = arith.muli %select_n3A, %mul3A_185 : i32
      %multiple_of3A = tpu.assume_multiple %mul3A_186, 16 : i32
      %get3A = arith.index_cast %multiple_of3A : i32 to index
      %get3A_187 = tpu.vector_load %arg12[%get3A] {strides = array<i32>} : memref<144xf32, #tpu.memory_space<vmem>>, vector<16xf32>,
      %get3A_188 = vector.shape_cast %get3A_187 : vector<16xf32> to vector<16xf32>
      %abs3A = math.absf %get3A_188 : vector<16xf32>
      %sub3A_189 = arith.subi %scan3A_166, %multiple_of3A : i32
      %broadcast_in_dim3A_190 = vector.broadcast %sub3A_189 : i32 to vector<16xi32>
      %lt3A = arith.constant 0 : i32
      %lt3A_191 = vector.broadcast %lt3A : i32 to vector<16xi32>
      %lt3A_192 = arith.cmpi slt, %broadcast_in_dim3A_190, %lt3A_191 : vector<16xi32>
      %add3A_193 = arith.constant 16 : i32
      %add3A_194 = vector.broadcast %add3A_193 : i32 to vector<16xi32>
      %add3A_195 = arith.addi %broadcast_in_dim3A_190, %add3A_194 : vector<16xi32>
      %select_n3A_196 = arith.select %lt3A_192, %add3A_195, %broadcast_in_dim3A_190 : vector<16xi1>, vector<16xi32>
      %broadcast_in_dim3A_197 = vector.shape_cast %select_n3A_196 : vector<16xi32> to vector<16x1xi32>
      %gather3A = vector.shape_cast %broadcast_in_dim3A_197 : vector<16x1xi32> to vector<16xi32>
      %gather3A_198 = tpu.dynamic_gather %abs3A[%gather3A] in [0] : vector<16xf32>, vector<16xi32> -> vector<16xf32>
      %ne3A_199 = arith.constant 0.000000e+00 : f32
      %ne3A_200 = vector.broadcast %ne3A_199 : f32 to vector<16xf32>
      %ne3A_201 = arith.cmpf one, %gather3A_198, %ne3A_200 : vector<16xf32>
      %jit3A_202 = arith.constant 1.000000e+00 : f32
      %jit3A_203 = arith.constant 0.000000e+00 : f32
      %broadcast_in_dim3A_204 = vector.broadcast %jit3A_202 : f32 to vector<16xf32>
      %broadcast_in_dim3A_205 = vector.broadcast %jit3A_203 : f32 to vector<16xf32>
      %select_n3A_206 = arith.select %ne3A_201, %broadcast_in_dim3A_204, %broadcast_in_dim3A_205 : vector<16xi1>, vector<16xf32>
      %ge3A = arith.constant 12 : i32
      %ge3A_207 = vector.broadcast %ge3A : i32 to vector<16xi32>
      %ge3A_208 = arith.cmpi sge, %iota3A, %ge3A_207 : vector<16xi32>
      %jit3A_209 = arith.constant 1.000000e+00 : f32
      %jit3A_210 = arith.constant 0.000000e+00 : f32
      %broadcast_in_dim3A_211 = vector.broadcast %jit3A_209 : f32 to vector<16xf32>
      %broadcast_in_dim3A_212 = vector.broadcast %jit3A_210 : f32 to vector<16xf32>
      %select_n3A_213 = arith.select %ge3A_208, %broadcast_in_dim3A_211, %broadcast_in_dim3A_212 : vector<16xi1>, vector<16xf32>
      %get3A_214 = arith.index_cast %scan3A_166 : i32 to index
      %get3A_215 = arith.constant 0 : index
      %get3A_216 = tpu.vector_load %arg11[%get3A_214, %get3A_215] {strides = array<i32>} : memref<128x101xf32, #tpu.memory_space<vmem>>, vector<1x16xf32>,
      %get3A_217 = vector.shape_cast %get3A_216 : vector<1x16xf32> to vector<16xf32>
      %get3A_218 = arith.index_cast %scan3A_166 : i32 to index
      %get3A_219 = arith.constant 0 : index
      %get3A_220 = tpu.vector_load %arg14[%get3A_218, %get3A_219] {strides = array<i32>} : memref<128x128xf32, #tpu.memory_space<vmem>>, vector<1x16xf32>,
      %get3A_221 = vector.shape_cast %get3A_220 : vector<1x16xf32> to vector<16xf32>
      %ne3A_222 = arith.constant 0.000000e+00 : f32
      %ne3A_223 = vector.broadcast %ne3A_222 : f32 to vector<16xf32>
      %ne3A_224 = arith.cmpf one, %get3A_217, %ne3A_223 : vector<16xf32>
      %jit3A_225 = arith.constant 0.000000e+00 : f32
      %broadcast_in_dim3A_226 = vector.broadcast %jit3A_225 : f32 to vector<16xf32>
      %select_n3A_227 = arith.select %ne3A_224, %select_n3A_206, %broadcast_in_dim3A_226 : vector<16xi1>, vector<16xf32>
      %abs3A_228 = math.absf %get3A_221 : vector<16xf32>
      %mul3A_229 = arith.mulf %gather3A_198, %abs3A_228 : vector<16xf32>
      %sub3A_230 = arith.subf %get3A_217, %mul3A_229 : vector<16xf32>
      %mul3A_231 = arith.mulf %sub3A_230, %select_n3A_227 : vector<16xf32>
      %mul3A_232 = arith.mulf %mul3A_231, %mul3A_231 : vector<16xf32>
      %add3A_233 = arith.addf %scan3A_167, %mul3A_232 : vector<16xf32>
      %add3A_234 = arith.addf %scan3A_168, %select_n3A_227 : vector<16xf32>
      %get3A_235 = arith.index_cast %scan3A_166 : i32 to index
      %get3A_236 = arith.constant 16 : index
      %get3A_237 = tpu.vector_load %arg11[%get3A_235, %get3A_236] {strides = array<i32>} : memref<128x101xf32, #tpu.memory_space<vmem>>, vector<1x16xf32>,
      %get3A_238 = vector.shape_cast %get3A_237 : vector<1x16xf32> to vector<16xf32>
      %get3A_239 = arith.index_cast %scan3A_166 : i32 to index
      %get3A_240 = arith.constant 16 : index
      %get3A_241 = tpu.vector_load %arg14[%get3A_239, %get3A_240] {strides = array<i32>} : memref<128x128xf32, #tpu.memory_space<vmem>>, vector<1x16xf32>,
      %get3A_242 = vector.shape_cast %get3A_241 : vector<1x16xf32> to vector<16xf32>
      %ne3A_243 = arith.constant 0.000000e+00 : f32
      %ne3A_244 = vector.broadcast %ne3A_243 : f32 to vector<16xf32>
      %ne3A_245 = arith.cmpf one, %get3A_238, %ne3A_244 : vector<16xf32>
      %jit3A_246 = arith.constant 0.000000e+00 : f32
      %broadcast_in_dim3A_247 = vector.broadcast %jit3A_246 : f32 to vector<16xf32>
      %select_n3A_248 = arith.select %ne3A_245, %select_n3A_206, %broadcast_in_dim3A_247 : vector<16xi1>, vector<16xf32>
      %abs3A_249 = math.absf %get3A_242 : vector<16xf32>
      %mul3A_250 = arith.mulf %gather3A_198, %abs3A_249 : vector<16xf32>
      %sub3A_251 = arith.subf %get3A_238, %mul3A_250 : vector<16xf32>
      %mul3A_252 = arith.mulf %sub3A_251, %select_n3A_248 : vector<16xf32>
      %mul3A_253 = arith.mulf %mul3A_252, %mul3A_252 : vector<16xf32>
      %add3A_254 = arith.addf %add3A_233, %mul3A_253 : vector<16xf32>
      %add3A_255 = arith.addf %add3A_234, %select_n3A_248 : vector<16xf32>
      %get3A_256 = arith.index_cast %scan3A_166 : i32 to index
      %get3A_257 = arith.constant 32 : index
      %get3A_258 = tpu.vector_load %arg11[%get3A_256, %get3A_257] {strides = array<i32>} : memref<128x101xf32, #tpu.memory_space<vmem>>, vector<1x16xf32>,
      %get3A_259 = vector.shape_cast %get3A_258 : vector<1x16xf32> to vector<16xf32>
      %get3A_260 = arith.index_cast %scan3A_166 : i32 to index
      %get3A_261 = arith.constant 32 : index
      %get3A_262 = tpu.vector_load %arg14[%get3A_260, %get3A_261] {strides = array<i32>} : memref<128x128xf32, #tpu.memory_space<vmem>>, vector<1x16xf32>,
      %get3A_263 = vector.shape_cast %get3A_262 : vector<1x16xf32> to vector<16xf32>
      %ne3A_264 = arith.constant 0.000000e+00 : f32
      %ne3A_265 = vector.broadcast %ne3A_264 : f32 to vector<16xf32>
      %ne3A_266 = arith.cmpf one, %get3A_259, %ne3A_265 : vector<16xf32>
      %jit3A_267 = arith.constant 0.000000e+00 : f32
      %broadcast_in_dim3A_268 = vector.broadcast %jit3A_267 : f32 to vector<16xf32>
      %select_n3A_269 = arith.select %ne3A_266, %select_n3A_206, %broadcast_in_dim3A_268 : vector<16xi1>, vector<16xf32>
      %abs3A_270 = math.absf %get3A_263 : vector<16xf32>
      %mul3A_271 = arith.mulf %gather3A_198, %abs3A_270 : vector<16xf32>
      %sub3A_272 = arith.subf %get3A_259, %mul3A_271 : vector<16xf32>
      %mul3A_273 = arith.mulf %sub3A_272, %select_n3A_269 : vector<16xf32>
      %mul3A_274 = arith.mulf %mul3A_273, %mul3A_273 : vector<16xf32>
      %add3A_275 = arith.addf %add3A_254, %mul3A_274 : vector<16xf32>
      %add3A_276 = arith.addf %add3A_255, %select_n3A_269 : vector<16xf32>
      %get3A_277 = arith.index_cast %scan3A_166 : i32 to index
      %get3A_278 = arith.constant 48 : index
      %get3A_279 = tpu.vector_load %arg11[%get3A_277, %get3A_278] {strides = array<i32>} : memref<128x101xf32, #tpu.memory_space<vmem>>, vector<1x16xf32>,
      %get3A_280 = vector.shape_cast %get3A_279 : vector<1x16xf32> to vector<16xf32>
      %get3A_281 = arith.index_cast %scan3A_166 : i32 to index
      %get3A_282 = arith.constant 48 : index
      %get3A_283 = tpu.vector_load %arg14[%get3A_281, %get3A_282] {strides = array<i32>} : memref<128x128xf32, #tpu.memory_space<vmem>>, vector<1x16xf32>,
      %get3A_284 = vector.shape_cast %get3A_283 : vector<1x16xf32> to vector<16xf32>
      %ne3A_285 = arith.constant 0.000000e+00 : f32
      %ne3A_286 = vector.broadcast %ne3A_285 : f32 to vector<16xf32>
      %ne3A_287 = arith.cmpf one, %get3A_280, %ne3A_286 : vector<16xf32>
      %jit3A_288 = arith.constant 0.000000e+00 : f32
      %broadcast_in_dim3A_289 = vector.broadcast %jit3A_288 : f32 to vector<16xf32>
      %select_n3A_290 = arith.select %ne3A_287, %select_n3A_206, %broadcast_in_dim3A_289 : vector<16xi1>, vector<16xf32>
      %abs3A_291 = math.absf %get3A_284 : vector<16xf32>
      %mul3A_292 = arith.mulf %gather3A_198, %abs3A_291 : vector<16xf32>
      %sub3A_293 = arith.subf %get3A_280, %mul3A_292 : vector<16xf32>
      %mul3A_294 = arith.mulf %sub3A_293, %select_n3A_290 : vector<16xf32>
      %mul3A_295 = arith.mulf %mul3A_294, %mul3A_294 : vector<16xf32>
      %add3A_296 = arith.addf %add3A_275, %mul3A_295 : vector<16xf32>
      %add3A_297 = arith.addf %add3A_276, %select_n3A_290 : vector<16xf32>
      %get3A_298 = arith.index_cast %scan3A_166 : i32 to index
      %get3A_299 = arith.constant 64 : index
      %get3A_300 = tpu.vector_load %arg11[%get3A_298, %get3A_299] {strides = array<i32>} : memref<128x101xf32, #tpu.memory_space<vmem>>, vector<1x16xf32>,
      %get3A_301 = vector.shape_cast %get3A_300 : vector<1x16xf32> to vector<16xf32>
      %get3A_302 = arith.index_cast %scan3A_166 : i32 to index
      %get3A_303 = arith.constant 64 : index
      %get3A_304 = tpu.vector_load %arg14[%get3A_302, %get3A_303] {strides = array<i32>} : memref<128x128xf32, #tpu.memory_space<vmem>>, vector<1x16xf32>,
      %get3A_305 = vector.shape_cast %get3A_304 : vector<1x16xf32> to vector<16xf32>
      %ne3A_306 = arith.constant 0.000000e+00 : f32
      %ne3A_307 = vector.broadcast %ne3A_306 : f32 to vector<16xf32>
      %ne3A_308 = arith.cmpf one, %get3A_301, %ne3A_307 : vector<16xf32>
      %jit3A_309 = arith.constant 0.000000e+00 : f32
      %broadcast_in_dim3A_310 = vector.broadcast %jit3A_309 : f32 to vector<16xf32>
      %select_n3A_311 = arith.select %ne3A_308, %select_n3A_206, %broadcast_in_dim3A_310 : vector<16xi1>, vector<16xf32>
      %abs3A_312 = math.absf %get3A_305 : vector<16xf32>
      %mul3A_313 = arith.mulf %gather3A_198, %abs3A_312 : vector<16xf32>
      %sub3A_314 = arith.subf %get3A_301, %mul3A_313 : vector<16xf32>
      %mul3A_315 = arith.mulf %sub3A_314, %select_n3A_311 : vector<16xf32>
      %mul3A_316 = arith.mulf %mul3A_315, %mul3A_315 : vector<16xf32>
      %add3A_317 = arith.addf %add3A_296, %mul3A_316 : vector<16xf32>
      %add3A_318 = arith.addf %add3A_297, %select_n3A_311 : vector<16xf32>
      %get3A_319 = arith.index_cast %scan3A_166 : i32 to index
      %get3A_320 = arith.constant 80 : index
      %get3A_321 = tpu.vector_load %arg11[%get3A_319, %get3A_320] {strides = array<i32>} : memref<128x101xf32, #tpu.memory_space<vmem>>, vector<1x16xf32>,
      %get3A_322 = vector.shape_cast %get3A_321 : vector<1x16xf32> to vector<16xf32>
      %get3A_323 = arith.index_cast %scan3A_166 : i32 to index
      %get3A_324 = arith.constant 80 : index
      %get3A_325 = tpu.vector_load %arg14[%get3A_323, %get3A_324] {strides = array<i32>} : memref<128x128xf32, #tpu.memory_space<vmem>>, vector<1x16xf32>,
      %get3A_326 = vector.shape_cast %get3A_325 : vector<1x16xf32> to vector<16xf32>
      %ne3A_327 = arith.constant 0.000000e+00 : f32
      %ne3A_328 = vector.broadcast %ne3A_327 : f32 to vector<16xf32>
      %ne3A_329 = arith.cmpf one, %get3A_322, %ne3A_328 : vector<16xf32>
      %jit3A_330 = arith.constant 0.000000e+00 : f32
      %broadcast_in_dim3A_331 = vector.broadcast %jit3A_330 : f32 to vector<16xf32>
      %select_n3A_332 = arith.select %ne3A_329, %select_n3A_206, %broadcast_in_dim3A_331 : vector<16xi1>, vector<16xf32>
      %abs3A_333 = math.absf %get3A_326 : vector<16xf32>
      %mul3A_334 = arith.mulf %gather3A_198, %abs3A_333 : vector<16xf32>
      %sub3A_335 = arith.subf %get3A_322, %mul3A_334 : vector<16xf32>
      %mul3A_336 = arith.mulf %sub3A_335, %select_n3A_332 : vector<16xf32>
      %mul3A_337 = arith.mulf %mul3A_336, %mul3A_336 : vector<16xf32>
      %add3A_338 = arith.addf %add3A_317, %mul3A_337 : vector<16xf32>
      %add3A_339 = arith.addf %add3A_318, %select_n3A_332 : vector<16xf32>
      %get3A_340 = arith.index_cast %scan3A_166 : i32 to index
      %get3A_341 = arith.constant 84 : index
      %get3A_342 = tpu.vector_load %arg11[%get3A_340, %get3A_341] {strides = array<i32>} : memref<128x101xf32, #tpu.memory_space<vmem>>, vector<1x16xf32>,
      %get3A_343 = vector.shape_cast %get3A_342 : vector<1x16xf32> to vector<16xf32>
      %get3A_344 = arith.index_cast %scan3A_166 : i32 to index
      %get3A_345 = arith.constant 84 : index
      %get3A_346 = tpu.vector_load %arg14[%get3A_344, %get3A_345] {strides = array<i32>} : memref<128x128xf32, #tpu.memory_space<vmem>>, vector<1x16xf32>,
      %get3A_347 = vector.shape_cast %get3A_346 : vector<1x16xf32> to vector<16xf32>
      %ne3A_348 = arith.constant 0.000000e+00 : f32
      %ne3A_349 = vector.broadcast %ne3A_348 : f32 to vector<16xf32>
      %ne3A_350 = arith.cmpf one, %get3A_343, %ne3A_349 : vector<16xf32>
      %jit3A_351 = arith.constant 0.000000e+00 : f32
      %broadcast_in_dim3A_352 = vector.broadcast %jit3A_351 : f32 to vector<16xf32>
      %select_n3A_353 = arith.select %ne3A_350, %select_n3A_206, %broadcast_in_dim3A_352 : vector<16xi1>, vector<16xf32>
      %mul3A_354 = arith.mulf %select_n3A_353, %select_n3A_213 : vector<16xf32>
      %abs3A_355 = math.absf %get3A_347 : vector<16xf32>
      %mul3A_356 = arith.mulf %gather3A_198, %abs3A_355 : vector<16xf32>
      %sub3A_357 = arith.subf %get3A_343, %mul3A_356 : vector<16xf32>
      %mul3A_358 = arith.mulf %sub3A_357, %mul3A_354 : vector<16xf32>
      %mul3A_359 = arith.mulf %mul3A_358, %mul3A_358 : vector<16xf32>
      %add3A_360 = arith.addf %add3A_338, %mul3A_359 : vector<16xf32>
      %add3A_361 = arith.addf %add3A_339, %mul3A_354 : vector<16xf32>
      scf.yield %add3A_360, %add3A_361 : vector<16xf32>, vector<16xf32>
    }
    %scan3A_121 = arith.constant 128 : i32
    %dma_wait3A_122 = arith.constant 0 : i32
    %dma_wait3A_123 = tpu.memref_slice %arg2[%add3A_100, %dma_wait3A_122] : memref<16384x101xf32, #tpu.memory_space<hbm>> -> memref<128x101xf32, #tpu.memory_space<hbm>>
    %dma_wait3A_124 = arith.constant 0 : i32
    %dma_wait3A_125 = tpu.memref_slice %arg2[%add3A_100, %dma_wait3A_124] : memref<16384x101xf32, #tpu.memory_space<hbm>> -> memref<128x101xf32, #tpu.memory_space<hbm>>
    tpu.wait_dma2 semaphore(%arg20 : memref<!tpu.dma_semaphore, #tpu.memory_space<semaphore_mem>>) src(%dma_wait3A_125 : memref<128x101xf32, #tpu.memory_space<hbm>>) dst(%arg7 : memref<128x101xf32, #tpu.memory_space<vmem>>)
    %dma_wait3A_126 = arith.constant 0 : i32
    %dma_wait3A_127 = tpu.memref_slice %arg8[%dma_wait3A_126] : memref<144xf32, #tpu.memory_space<vmem>> -> memref<128xf32, #tpu.memory_space<vmem>>
    %dma_wait3A_128 = tpu.memref_slice %arg3[%add3A_100] : memref<16384xf32, #tpu.memory_space<hbm>> -> memref<128xf32, #tpu.memory_space<hbm>>
    %dma_wait3A_129 = arith.constant 0 : i32
    %dma_wait3A_130 = tpu.memref_slice %arg8[%dma_wait3A_129] : memref<144xf32, #tpu.memory_space<vmem>> -> memref<128xf32, #tpu.memory_space<vmem>>
    %dma_wait3A_131 = tpu.memref_slice %arg3[%add3A_100] : memref<16384xf32, #tpu.memory_space<hbm>> -> memref<128xf32, #tpu.memory_space<hbm>>
    tpu.wait_dma2 semaphore(%arg20 : memref<!tpu.dma_semaphore, #tpu.memory_space<semaphore_mem>>) src(%dma_wait3A_131 : memref<128xf32, #tpu.memory_space<hbm>>) dst(%dma_wait3A_130 : memref<128xf32, #tpu.memory_space<vmem>>)
    %dma_wait3A_132 = tpu.memref_slice %arg4[%add3A_100] : memref<16384xi32, #tpu.memory_space<hbm>> -> memref<128xi32, #tpu.memory_space<hbm>>
    %dma_wait3A_133 = tpu.memref_slice %arg4[%add3A_100] : memref<16384xi32, #tpu.memory_space<hbm>> -> memref<128xi32, #tpu.memory_space<hbm>>
    tpu.wait_dma2 semaphore(%arg20 : memref<!tpu.dma_semaphore, #tpu.memory_space<semaphore_mem>>) src(%dma_wait3A_133 : memref<128xi32, #tpu.memory_space<hbm>>) dst(%arg9 : memref<128xi32, #tpu.memory_space<vmem>>)
    %dma_start3A_134 = arith.constant 0 : i32
    %dma_start3A_135 = arith.constant 0 : i32
    %dma_start3A_136 = tpu.memref_slice %arg5[%dma_start3A_134, %dma_start3A_135] : memref<20000x128xf32, #tpu.memory_space<hbm>> -> memref<20000x128xf32, #tpu.memory_space<hbm>>
    tpu.enqueue_indirect_dma source(%dma_start3A_136 : memref<20000x128xf32, #tpu.memory_space<hbm>>) target(%arg10 : memref<128x128xf32, #tpu.memory_space<vmem>>) offsets(%arg9 : memref<128xi32, #tpu.memory_space<vmem>>) semaphore(%arg23 : memref<!tpu.dma_semaphore, #tpu.memory_space<semaphore_mem>>)
    %dma_wait3A_137 = arith.constant 0 : i32
    %dma_wait3A_138 = arith.constant 0 : i32
    %dma_wait3A_139 = tpu.memref_slice %arg5[%dma_wait3A_137, %dma_wait3A_138] : memref<20000x128xf32, #tpu.memory_space<hbm>> -> memref<20000x128xf32, #tpu.memory_space<hbm>>
    tpu.wait_indirect_dma semaphore(%arg25 : memref<!tpu.dma_semaphore, #tpu.memory_space<semaphore_mem>>) src(%dma_wait3A_139 : memref<20000x128xf32, #tpu.memory_space<hbm>>) dst(%arg18 : memref<128x128xf32, #tpu.memory_space<vmem>>)
    %scan3A_140 = arith.constant 0 : i32
    %scan3A_141 = arith.constant 128 : i32
    %scan3A_142 = arith.addi %scan3A_140, %scan3A_141 : i32
    %scan3A_143 = arith.constant 1 : i32
    %scan3A_144:2 = scf.for %scan3A_166 = %scan3A_140 to %scan3A_142 step %scan3A_143 iter_args(%scan3A_167 = %scan3A_120#0, %scan3A_168 = %scan3A_120#1) -> (vector<16xf32>, vector<16xf32>)  : i32 {
      %jit3A = arith.constant 16 : i32
      %div3A = arith.divsi %scan3A_166, %jit3A : i32
      %sign3A = arith.constant 0 : i32
      %sign3A_169 = arith.cmpi sgt, %scan3A_166, %sign3A : i32
      %sign3A_170 = arith.extui %sign3A_169 : i1 to i32
      %sign3A_171 = arith.constant 0 : i32
      %sign3A_172 = arith.cmpi slt, %scan3A_166, %sign3A_171 : i32
      %sign3A_173 = arith.extui %sign3A_172 : i1 to i32
      %sign3A_174 = arith.subi %sign3A_170, %sign3A_173 : i32
      %sign3A_175 = arith.constant 0 : i32
      %sign3A_176 = arith.cmpi sgt, %jit3A, %sign3A_175 : i32
      %sign3A_177 = arith.extui %sign3A_176 : i1 to i32
      %sign3A_178 = arith.constant 0 : i32
      %sign3A_179 = arith.cmpi slt, %jit3A, %sign3A_178 : i32
      %sign3A_180 = arith.extui %sign3A_179 : i1 to i32
      %sign3A_181 = arith.subi %sign3A_177, %sign3A_180 : i32
      %ne3A = arith.cmpi ne, %sign3A_174, %sign3A_181 : i32
      %rem3A = arith.remsi %scan3A_166, %jit3A : i32
      %ne3A_182 = arith.constant 0 : i32
      %ne3A_183 = arith.cmpi ne, %rem3A, %ne3A_182 : i32
      %and3A = arith.andi %ne3A, %ne3A_183 : i1
      %sub3A = arith.constant 1 : i32
      %sub3A_184 = arith.subi %div3A, %sub3A : i32
      %select_n3A = arith.select %and3A, %sub3A_184, %div3A : i32
      %mul3A_185 = arith.constant 16 : i32
      %mul3A_186 = arith.muli %select_n3A, %mul3A_185 : i32
      %multiple_of3A = tpu.assume_multiple %mul3A_186, 16 : i32
      %get3A = arith.index_cast %multiple_of3A : i32 to index
      %get3A_187 = tpu.vector_load %arg16[%get3A] {strides = array<i32>} : memref<144xf32, #tpu.memory_space<vmem>>, vector<16xf32>,
      %get3A_188 = vector.shape_cast %get3A_187 : vector<16xf32> to vector<16xf32>
      %abs3A = math.absf %get3A_188 : vector<16xf32>
      %sub3A_189 = arith.subi %scan3A_166, %multiple_of3A : i32
      %broadcast_in_dim3A_190 = vector.broadcast %sub3A_189 : i32 to vector<16xi32>
      %lt3A = arith.constant 0 : i32
      %lt3A_191 = vector.broadcast %lt3A : i32 to vector<16xi32>
      %lt3A_192 = arith.cmpi slt, %broadcast_in_dim3A_190, %lt3A_191 : vector<16xi32>
      %add3A_193 = arith.constant 16 : i32
      %add3A_194 = vector.broadcast %add3A_193 : i32 to vector<16xi32>
      %add3A_195 = arith.addi %broadcast_in_dim3A_190, %add3A_194 : vector<16xi32>
      %select_n3A_196 = arith.select %lt3A_192, %add3A_195, %broadcast_in_dim3A_190 : vector<16xi1>, vector<16xi32>
      %broadcast_in_dim3A_197 = vector.shape_cast %select_n3A_196 : vector<16xi32> to vector<16x1xi32>
      %gather3A = vector.shape_cast %broadcast_in_dim3A_197 : vector<16x1xi32> to vector<16xi32>
      %gather3A_198 = tpu.dynamic_gather %abs3A[%gather3A] in [0] : vector<16xf32>, vector<16xi32> -> vector<16xf32>
      %ne3A_199 = arith.constant 0.000000e+00 : f32
      %ne3A_200 = vector.broadcast %ne3A_199 : f32 to vector<16xf32>
      %ne3A_201 = arith.cmpf one, %gather3A_198, %ne3A_200 : vector<16xf32>
      %jit3A_202 = arith.constant 1.000000e+00 : f32
      %jit3A_203 = arith.constant 0.000000e+00 : f32
      %broadcast_in_dim3A_204 = vector.broadcast %jit3A_202 : f32 to vector<16xf32>
      %broadcast_in_dim3A_205 = vector.broadcast %jit3A_203 : f32 to vector<16xf32>
      %select_n3A_206 = arith.select %ne3A_201, %broadcast_in_dim3A_204, %broadcast_in_dim3A_205 : vector<16xi1>, vector<16xf32>
      %ge3A = arith.constant 12 : i32
      %ge3A_207 = vector.broadcast %ge3A : i32 to vector<16xi32>
      %ge3A_208 = arith.cmpi sge, %iota3A, %ge3A_207 : vector<16xi32>
      %jit3A_209 = arith.constant 1.000000e+00 : f32
      %jit3A_210 = arith.constant 0.000000e+00 : f32
      %broadcast_in_dim3A_211 = vector.broadcast %jit3A_209 : f32 to vector<16xf32>
      %broadcast_in_dim3A_212 = vector.broadcast %jit3A_210 : f32 to vector<16xf32>
      %select_n3A_213 = arith.select %ge3A_208, %broadcast_in_dim3A_211, %broadcast_in_dim3A_212 : vector<16xi1>, vector<16xf32>
      %get3A_214 = arith.index_cast %scan3A_166 : i32 to index
      %get3A_215 = arith.constant 0 : index
      %get3A_216 = tpu.vector_load %arg15[%get3A_214, %get3A_215] {strides = array<i32>} : memref<128x101xf32, #tpu.memory_space<vmem>>, vector<1x16xf32>,
      %get3A_217 = vector.shape_cast %get3A_216 : vector<1x16xf32> to vector<16xf32>
      %get3A_218 = arith.index_cast %scan3A_166 : i32 to index
      %get3A_219 = arith.constant 0 : index
      %get3A_220 = tpu.vector_load %arg18[%get3A_218, %get3A_219] {strides = array<i32>} : memref<128x128xf32, #tpu.memory_space<vmem>>, vector<1x16xf32>,
      %get3A_221 = vector.shape_cast %get3A_220 : vector<1x16xf32> to vector<16xf32>
      %ne3A_222 = arith.constant 0.000000e+00 : f32
      %ne3A_223 = vector.broadcast %ne3A_222 : f32 to vector<16xf32>
      %ne3A_224 = arith.cmpf one, %get3A_217, %ne3A_223 : vector<16xf32>
      %jit3A_225 = arith.constant 0.000000e+00 : f32
      %broadcast_in_dim3A_226 = vector.broadcast %jit3A_225 : f32 to vector<16xf32>
      %select_n3A_227 = arith.select %ne3A_224, %select_n3A_206, %broadcast_in_dim3A_226 : vector<16xi1>, vector<16xf32>
      %abs3A_228 = math.absf %get3A_221 : vector<16xf32>
      %mul3A_229 = arith.mulf %gather3A_198, %abs3A_228 : vector<16xf32>
      %sub3A_230 = arith.subf %get3A_217, %mul3A_229 : vector<16xf32>
      %mul3A_231 = arith.mulf %sub3A_230, %select_n3A_227 : vector<16xf32>
      %mul3A_232 = arith.mulf %mul3A_231, %mul3A_231 : vector<16xf32>
      %add3A_233 = arith.addf %scan3A_167, %mul3A_232 : vector<16xf32>
      %add3A_234 = arith.addf %scan3A_168, %select_n3A_227 : vector<16xf32>
      %get3A_235 = arith.index_cast %scan3A_166 : i32 to index
      %get3A_236 = arith.constant 16 : index
      %get3A_237 = tpu.vector_load %arg15[%get3A_235, %get3A_236] {strides = array<i32>} : memref<128x101xf32, #tpu.memory_space<vmem>>, vector<1x16xf32>,
      %get3A_238 = vector.shape_cast %get3A_237 : vector<1x16xf32> to vector<16xf32>
      %get3A_239 = arith.index_cast %scan3A_166 : i32 to index
      %get3A_240 = arith.constant 16 : index
      %get3A_241 = tpu.vector_load %arg18[%get3A_239, %get3A_240] {strides = array<i32>} : memref<128x128xf32, #tpu.memory_space<vmem>>, vector<1x16xf32>,
      %get3A_242 = vector.shape_cast %get3A_241 : vector<1x16xf32> to vector<16xf32>
      %ne3A_243 = arith.constant 0.000000e+00 : f32
      %ne3A_244 = vector.broadcast %ne3A_243 : f32 to vector<16xf32>
      %ne3A_245 = arith.cmpf one, %get3A_238, %ne3A_244 : vector<16xf32>
      %jit3A_246 = arith.constant 0.000000e+00 : f32
      %broadcast_in_dim3A_247 = vector.broadcast %jit3A_246 : f32 to vector<16xf32>
      %select_n3A_248 = arith.select %ne3A_245, %select_n3A_206, %broadcast_in_dim3A_247 : vector<16xi1>, vector<16xf32>
      %abs3A_249 = math.absf %get3A_242 : vector<16xf32>
      %mul3A_250 = arith.mulf %gather3A_198, %abs3A_249 : vector<16xf32>
      %sub3A_251 = arith.subf %get3A_238, %mul3A_250 : vector<16xf32>
      %mul3A_252 = arith.mulf %sub3A_251, %select_n3A_248 : vector<16xf32>
      %mul3A_253 = arith.mulf %mul3A_252, %mul3A_252 : vector<16xf32>
      %add3A_254 = arith.addf %add3A_233, %mul3A_253 : vector<16xf32>
      %add3A_255 = arith.addf %add3A_234, %select_n3A_248 : vector<16xf32>
      %get3A_256 = arith.index_cast %scan3A_166 : i32 to index
      %get3A_257 = arith.constant 32 : index
      %get3A_258 = tpu.vector_load %arg15[%get3A_256, %get3A_257] {strides = array<i32>} : memref<128x101xf32, #tpu.memory_space<vmem>>, vector<1x16xf32>,
      %get3A_259 = vector.shape_cast %get3A_258 : vector<1x16xf32> to vector<16xf32>
      %get3A_260 = arith.index_cast %scan3A_166 : i32 to index
      %get3A_261 = arith.constant 32 : index
      %get3A_262 = tpu.vector_load %arg18[%get3A_260, %get3A_261] {strides = array<i32>} : memref<128x128xf32, #tpu.memory_space<vmem>>, vector<1x16xf32>,
      %get3A_263 = vector.shape_cast %get3A_262 : vector<1x16xf32> to vector<16xf32>
      %ne3A_264 = arith.constant 0.000000e+00 : f32
      %ne3A_265 = vector.broadcast %ne3A_264 : f32 to vector<16xf32>
      %ne3A_266 = arith.cmpf one, %get3A_259, %ne3A_265 : vector<16xf32>
      %jit3A_267 = arith.constant 0.000000e+00 : f32
      %broadcast_in_dim3A_268 = vector.broadcast %jit3A_267 : f32 to vector<16xf32>
      %select_n3A_269 = arith.select %ne3A_266, %select_n3A_206, %broadcast_in_dim3A_268 : vector<16xi1>, vector<16xf32>
      %abs3A_270 = math.absf %get3A_263 : vector<16xf32>
      %mul3A_271 = arith.mulf %gather3A_198, %abs3A_270 : vector<16xf32>
      %sub3A_272 = arith.subf %get3A_259, %mul3A_271 : vector<16xf32>
      %mul3A_273 = arith.mulf %sub3A_272, %select_n3A_269 : vector<16xf32>
      %mul3A_274 = arith.mulf %mul3A_273, %mul3A_273 : vector<16xf32>
      %add3A_275 = arith.addf %add3A_254, %mul3A_274 : vector<16xf32>
      %add3A_276 = arith.addf %add3A_255, %select_n3A_269 : vector<16xf32>
      %get3A_277 = arith.index_cast %scan3A_166 : i32 to index
      %get3A_278 = arith.constant 48 : index
      %get3A_279 = tpu.vector_load %arg15[%get3A_277, %get3A_278] {strides = array<i32>} : memref<128x101xf32, #tpu.memory_space<vmem>>, vector<1x16xf32>,
      %get3A_280 = vector.shape_cast %get3A_279 : vector<1x16xf32> to vector<16xf32>
      %get3A_281 = arith.index_cast %scan3A_166 : i32 to index
      %get3A_282 = arith.constant 48 : index
      %get3A_283 = tpu.vector_load %arg18[%get3A_281, %get3A_282] {strides = array<i32>} : memref<128x128xf32, #tpu.memory_space<vmem>>, vector<1x16xf32>,
      %get3A_284 = vector.shape_cast %get3A_283 : vector<1x16xf32> to vector<16xf32>
      %ne3A_285 = arith.constant 0.000000e+00 : f32
      %ne3A_286 = vector.broadcast %ne3A_285 : f32 to vector<16xf32>
      %ne3A_287 = arith.cmpf one, %get3A_280, %ne3A_286 : vector<16xf32>
      %jit3A_288 = arith.constant 0.000000e+00 : f32
      %broadcast_in_dim3A_289 = vector.broadcast %jit3A_288 : f32 to vector<16xf32>
      %select_n3A_290 = arith.select %ne3A_287, %select_n3A_206, %broadcast_in_dim3A_289 : vector<16xi1>, vector<16xf32>
      %abs3A_291 = math.absf %get3A_284 : vector<16xf32>
      %mul3A_292 = arith.mulf %gather3A_198, %abs3A_291 : vector<16xf32>
      %sub3A_293 = arith.subf %get3A_280, %mul3A_292 : vector<16xf32>
      %mul3A_294 = arith.mulf %sub3A_293, %select_n3A_290 : vector<16xf32>
      %mul3A_295 = arith.mulf %mul3A_294, %mul3A_294 : vector<16xf32>
      %add3A_296 = arith.addf %add3A_275, %mul3A_295 : vector<16xf32>
      %add3A_297 = arith.addf %add3A_276, %select_n3A_290 : vector<16xf32>
      %get3A_298 = arith.index_cast %scan3A_166 : i32 to index
      %get3A_299 = arith.constant 64 : index
      %get3A_300 = tpu.vector_load %arg15[%get3A_298, %get3A_299] {strides = array<i32>} : memref<128x101xf32, #tpu.memory_space<vmem>>, vector<1x16xf32>,
      %get3A_301 = vector.shape_cast %get3A_300 : vector<1x16xf32> to vector<16xf32>
      %get3A_302 = arith.index_cast %scan3A_166 : i32 to index
      %get3A_303 = arith.constant 64 : index
      %get3A_304 = tpu.vector_load %arg18[%get3A_302, %get3A_303] {strides = array<i32>} : memref<128x128xf32, #tpu.memory_space<vmem>>, vector<1x16xf32>,
      %get3A_305 = vector.shape_cast %get3A_304 : vector<1x16xf32> to vector<16xf32>
      %ne3A_306 = arith.constant 0.000000e+00 : f32
      %ne3A_307 = vector.broadcast %ne3A_306 : f32 to vector<16xf32>
      %ne3A_308 = arith.cmpf one, %get3A_301, %ne3A_307 : vector<16xf32>
      %jit3A_309 = arith.constant 0.000000e+00 : f32
      %broadcast_in_dim3A_310 = vector.broadcast %jit3A_309 : f32 to vector<16xf32>
      %select_n3A_311 = arith.select %ne3A_308, %select_n3A_206, %broadcast_in_dim3A_310 : vector<16xi1>, vector<16xf32>
      %abs3A_312 = math.absf %get3A_305 : vector<16xf32>
      %mul3A_313 = arith.mulf %gather3A_198, %abs3A_312 : vector<16xf32>
      %sub3A_314 = arith.subf %get3A_301, %mul3A_313 : vector<16xf32>
      %mul3A_315 = arith.mulf %sub3A_314, %select_n3A_311 : vector<16xf32>
      %mul3A_316 = arith.mulf %mul3A_315, %mul3A_315 : vector<16xf32>
      %add3A_317 = arith.addf %add3A_296, %mul3A_316 : vector<16xf32>
      %add3A_318 = arith.addf %add3A_297, %select_n3A_311 : vector<16xf32>
      %get3A_319 = arith.index_cast %scan3A_166 : i32 to index
      %get3A_320 = arith.constant 80 : index
      %get3A_321 = tpu.vector_load %arg15[%get3A_319, %get3A_320] {strides = array<i32>} : memref<128x101xf32, #tpu.memory_space<vmem>>, vector<1x16xf32>,
      %get3A_322 = vector.shape_cast %get3A_321 : vector<1x16xf32> to vector<16xf32>
      %get3A_323 = arith.index_cast %scan3A_166 : i32 to index
      %get3A_324 = arith.constant 80 : index
      %get3A_325 = tpu.vector_load %arg18[%get3A_323, %get3A_324] {strides = array<i32>} : memref<128x128xf32, #tpu.memory_space<vmem>>, vector<1x16xf32>,
      %get3A_326 = vector.shape_cast %get3A_325 : vector<1x16xf32> to vector<16xf32>
      %ne3A_327 = arith.constant 0.000000e+00 : f32
      %ne3A_328 = vector.broadcast %ne3A_327 : f32 to vector<16xf32>
      %ne3A_329 = arith.cmpf one, %get3A_322, %ne3A_328 : vector<16xf32>
      %jit3A_330 = arith.constant 0.000000e+00 : f32
      %broadcast_in_dim3A_331 = vector.broadcast %jit3A_330 : f32 to vector<16xf32>
      %select_n3A_332 = arith.select %ne3A_329, %select_n3A_206, %broadcast_in_dim3A_331 : vector<16xi1>, vector<16xf32>
      %abs3A_333 = math.absf %get3A_326 : vector<16xf32>
      %mul3A_334 = arith.mulf %gather3A_198, %abs3A_333 : vector<16xf32>
      %sub3A_335 = arith.subf %get3A_322, %mul3A_334 : vector<16xf32>
      %mul3A_336 = arith.mulf %sub3A_335, %select_n3A_332 : vector<16xf32>
      %mul3A_337 = arith.mulf %mul3A_336, %mul3A_336 : vector<16xf32>
      %add3A_338 = arith.addf %add3A_317, %mul3A_337 : vector<16xf32>
      %add3A_339 = arith.addf %add3A_318, %select_n3A_332 : vector<16xf32>
      %get3A_340 = arith.index_cast %scan3A_166 : i32 to index
      %get3A_341 = arith.constant 84 : index
      %get3A_342 = tpu.vector_load %arg15[%get3A_340, %get3A_341] {strides = array<i32>} : memref<128x101xf32, #tpu.memory_space<vmem>>, vector<1x16xf32>,
      %get3A_343 = vector.shape_cast %get3A_342 : vector<1x16xf32> to vector<16xf32>
      %get3A_344 = arith.index_cast %scan3A_166 : i32 to index
      %get3A_345 = arith.constant 84 : index
      %get3A_346 = tpu.vector_load %arg18[%get3A_344, %get3A_345] {strides = array<i32>} : memref<128x128xf32, #tpu.memory_space<vmem>>, vector<1x16xf32>,
      %get3A_347 = vector.shape_cast %get3A_346 : vector<1x16xf32> to vector<16xf32>
      %ne3A_348 = arith.constant 0.000000e+00 : f32
      %ne3A_349 = vector.broadcast %ne3A_348 : f32 to vector<16xf32>
      %ne3A_350 = arith.cmpf one, %get3A_343, %ne3A_349 : vector<16xf32>
      %jit3A_351 = arith.constant 0.000000e+00 : f32
      %broadcast_in_dim3A_352 = vector.broadcast %jit3A_351 : f32 to vector<16xf32>
      %select_n3A_353 = arith.select %ne3A_350, %select_n3A_206, %broadcast_in_dim3A_352 : vector<16xi1>, vector<16xf32>
      %mul3A_354 = arith.mulf %select_n3A_353, %select_n3A_213 : vector<16xf32>
      %abs3A_355 = math.absf %get3A_347 : vector<16xf32>
      %mul3A_356 = arith.mulf %gather3A_198, %abs3A_355 : vector<16xf32>
      %sub3A_357 = arith.subf %get3A_343, %mul3A_356 : vector<16xf32>
      %mul3A_358 = arith.mulf %sub3A_357, %mul3A_354 : vector<16xf32>
      %mul3A_359 = arith.mulf %mul3A_358, %mul3A_358 : vector<16xf32>
      %add3A_360 = arith.addf %add3A_338, %mul3A_359 : vector<16xf32>
      %add3A_361 = arith.addf %add3A_339, %mul3A_354 : vector<16xf32>
      scf.yield %add3A_360, %add3A_361 : vector<16xf32>, vector<16xf32>
    }
    %scan3A_145 = arith.constant 128 : i32
    %dma_wait3A_146 = arith.constant 0 : i32
    %dma_wait3A_147 = arith.constant 0 : i32
    %dma_wait3A_148 = tpu.memref_slice %arg5[%dma_wait3A_146, %dma_wait3A_147] : memref<20000x128xf32, #tpu.memory_space<hbm>> -> memref<20000x128xf32, #tpu.memory_space<hbm>>
    tpu.wait_indirect_dma semaphore(%arg23 : memref<!tpu.dma_semaphore, #tpu.memory_space<semaphore_mem>>) src(%dma_wait3A_148 : memref<20000x128xf32, #tpu.memory_space<hbm>>) dst(%arg10 : memref<128x128xf32, #tpu.memory_space<vmem>>)
    %scan3A_149 = arith.constant 0 : i32
    %scan3A_150 = arith.constant 128 : i32
    %scan3A_151 = arith.addi %scan3A_149, %scan3A_150 : i32
    %scan3A_152 = arith.constant 1 : i32
    %scan3A_153:2 = scf.for %scan3A_166 = %scan3A_149 to %scan3A_151 step %scan3A_152 iter_args(%scan3A_167 = %scan3A_144#0, %scan3A_168 = %scan3A_144#1) -> (vector<16xf32>, vector<16xf32>)  : i32 {
      %jit3A = arith.constant 16 : i32
      %div3A = arith.divsi %scan3A_166, %jit3A : i32
      %sign3A = arith.constant 0 : i32
      %sign3A_169 = arith.cmpi sgt, %scan3A_166, %sign3A : i32
      %sign3A_170 = arith.extui %sign3A_169 : i1 to i32
      %sign3A_171 = arith.constant 0 : i32
      %sign3A_172 = arith.cmpi slt, %scan3A_166, %sign3A_171 : i32
      %sign3A_173 = arith.extui %sign3A_172 : i1 to i32
      %sign3A_174 = arith.subi %sign3A_170, %sign3A_173 : i32
      %sign3A_175 = arith.constant 0 : i32
      %sign3A_176 = arith.cmpi sgt, %jit3A, %sign3A_175 : i32
      %sign3A_177 = arith.extui %sign3A_176 : i1 to i32
      %sign3A_178 = arith.constant 0 : i32
      %sign3A_179 = arith.cmpi slt, %jit3A, %sign3A_178 : i32
      %sign3A_180 = arith.extui %sign3A_179 : i1 to i32
      %sign3A_181 = arith.subi %sign3A_177, %sign3A_180 : i32
      %ne3A = arith.cmpi ne, %sign3A_174, %sign3A_181 : i32
      %rem3A = arith.remsi %scan3A_166, %jit3A : i32
      %ne3A_182 = arith.constant 0 : i32
      %ne3A_183 = arith.cmpi ne, %rem3A, %ne3A_182 : i32
      %and3A = arith.andi %ne3A, %ne3A_183 : i1
      %sub3A = arith.constant 1 : i32
      %sub3A_184 = arith.subi %div3A, %sub3A : i32
      %select_n3A = arith.select %and3A, %sub3A_184, %div3A : i32
      %mul3A_185 = arith.constant 16 : i32
      %mul3A_186 = arith.muli %select_n3A, %mul3A_185 : i32
      %multiple_of3A = tpu.assume_multiple %mul3A_186, 16 : i32
      %get3A = arith.index_cast %multiple_of3A : i32 to index
      %get3A_187 = tpu.vector_load %arg8[%get3A] {strides = array<i32>} : memref<144xf32, #tpu.memory_space<vmem>>, vector<16xf32>,
      %get3A_188 = vector.shape_cast %get3A_187 : vector<16xf32> to vector<16xf32>
      %abs3A = math.absf %get3A_188 : vector<16xf32>
      %sub3A_189 = arith.subi %scan3A_166, %multiple_of3A : i32
      %broadcast_in_dim3A_190 = vector.broadcast %sub3A_189 : i32 to vector<16xi32>
      %lt3A = arith.constant 0 : i32
      %lt3A_191 = vector.broadcast %lt3A : i32 to vector<16xi32>
      %lt3A_192 = arith.cmpi slt, %broadcast_in_dim3A_190, %lt3A_191 : vector<16xi32>
      %add3A_193 = arith.constant 16 : i32
      %add3A_194 = vector.broadcast %add3A_193 : i32 to vector<16xi32>
      %add3A_195 = arith.addi %broadcast_in_dim3A_190, %add3A_194 : vector<16xi32>
      %select_n3A_196 = arith.select %lt3A_192, %add3A_195, %broadcast_in_dim3A_190 : vector<16xi1>, vector<16xi32>
      %broadcast_in_dim3A_197 = vector.shape_cast %select_n3A_196 : vector<16xi32> to vector<16x1xi32>
      %gather3A = vector.shape_cast %broadcast_in_dim3A_197 : vector<16x1xi32> to vector<16xi32>
      %gather3A_198 = tpu.dynamic_gather %abs3A[%gather3A] in [0] : vector<16xf32>, vector<16xi32> -> vector<16xf32>
      %ne3A_199 = arith.constant 0.000000e+00 : f32
      %ne3A_200 = vector.broadcast %ne3A_199 : f32 to vector<16xf32>
      %ne3A_201 = arith.cmpf one, %gather3A_198, %ne3A_200 : vector<16xf32>
      %jit3A_202 = arith.constant 1.000000e+00 : f32
      %jit3A_203 = arith.constant 0.000000e+00 : f32
      %broadcast_in_dim3A_204 = vector.broadcast %jit3A_202 : f32 to vector<16xf32>
      %broadcast_in_dim3A_205 = vector.broadcast %jit3A_203 : f32 to vector<16xf32>
      %select_n3A_206 = arith.select %ne3A_201, %broadcast_in_dim3A_204, %broadcast_in_dim3A_205 : vector<16xi1>, vector<16xf32>
      %ge3A = arith.constant 12 : i32
      %ge3A_207 = vector.broadcast %ge3A : i32 to vector<16xi32>
      %ge3A_208 = arith.cmpi sge, %iota3A, %ge3A_207 : vector<16xi32>
      %jit3A_209 = arith.constant 1.000000e+00 : f32
      %jit3A_210 = arith.constant 0.000000e+00 : f32
      %broadcast_in_dim3A_211 = vector.broadcast %jit3A_209 : f32 to vector<16xf32>
      %broadcast_in_dim3A_212 = vector.broadcast %jit3A_210 : f32 to vector<16xf32>
      %select_n3A_213 = arith.select %ge3A_208, %broadcast_in_dim3A_211, %broadcast_in_dim3A_212 : vector<16xi1>, vector<16xf32>
      %get3A_214 = arith.index_cast %scan3A_166 : i32 to index
      %get3A_215 = arith.constant 0 : index
      %get3A_216 = tpu.vector_load %arg7[%get3A_214, %get3A_215] {strides = array<i32>} : memref<128x101xf32, #tpu.memory_space<vmem>>, vector<1x16xf32>,
      %get3A_217 = vector.shape_cast %get3A_216 : vector<1x16xf32> to vector<16xf32>
      %get3A_218 = arith.index_cast %scan3A_166 : i32 to index
      %get3A_219 = arith.constant 0 : index
      %get3A_220 = tpu.vector_load %arg10[%get3A_218, %get3A_219] {strides = array<i32>} : memref<128x128xf32, #tpu.memory_space<vmem>>, vector<1x16xf32>,
      %get3A_221 = vector.shape_cast %get3A_220 : vector<1x16xf32> to vector<16xf32>
      %ne3A_222 = arith.constant 0.000000e+00 : f32
      %ne3A_223 = vector.broadcast %ne3A_222 : f32 to vector<16xf32>
      %ne3A_224 = arith.cmpf one, %get3A_217, %ne3A_223 : vector<16xf32>
      %jit3A_225 = arith.constant 0.000000e+00 : f32
      %broadcast_in_dim3A_226 = vector.broadcast %jit3A_225 : f32 to vector<16xf32>
      %select_n3A_227 = arith.select %ne3A_224, %select_n3A_206, %broadcast_in_dim3A_226 : vector<16xi1>, vector<16xf32>
      %abs3A_228 = math.absf %get3A_221 : vector<16xf32>
      %mul3A_229 = arith.mulf %gather3A_198, %abs3A_228 : vector<16xf32>
      %sub3A_230 = arith.subf %get3A_217, %mul3A_229 : vector<16xf32>
      %mul3A_231 = arith.mulf %sub3A_230, %select_n3A_227 : vector<16xf32>
      %mul3A_232 = arith.mulf %mul3A_231, %mul3A_231 : vector<16xf32>
      %add3A_233 = arith.addf %scan3A_167, %mul3A_232 : vector<16xf32>
      %add3A_234 = arith.addf %scan3A_168, %select_n3A_227 : vector<16xf32>
      %get3A_235 = arith.index_cast %scan3A_166 : i32 to index
      %get3A_236 = arith.constant 16 : index
      %get3A_237 = tpu.vector_load %arg7[%get3A_235, %get3A_236] {strides = array<i32>} : memref<128x101xf32, #tpu.memory_space<vmem>>, vector<1x16xf32>,
      %get3A_238 = vector.shape_cast %get3A_237 : vector<1x16xf32> to vector<16xf32>
      %get3A_239 = arith.index_cast %scan3A_166 : i32 to index
      %get3A_240 = arith.constant 16 : index
      %get3A_241 = tpu.vector_load %arg10[%get3A_239, %get3A_240] {strides = array<i32>} : memref<128x128xf32, #tpu.memory_space<vmem>>, vector<1x16xf32>,
      %get3A_242 = vector.shape_cast %get3A_241 : vector<1x16xf32> to vector<16xf32>
      %ne3A_243 = arith.constant 0.000000e+00 : f32
      %ne3A_244 = vector.broadcast %ne3A_243 : f32 to vector<16xf32>
      %ne3A_245 = arith.cmpf one, %get3A_238, %ne3A_244 : vector<16xf32>
      %jit3A_246 = arith.constant 0.000000e+00 : f32
      %broadcast_in_dim3A_247 = vector.broadcast %jit3A_246 : f32 to vector<16xf32>
      %select_n3A_248 = arith.select %ne3A_245, %select_n3A_206, %broadcast_in_dim3A_247 : vector<16xi1>, vector<16xf32>
      %abs3A_249 = math.absf %get3A_242 : vector<16xf32>
      %mul3A_250 = arith.mulf %gather3A_198, %abs3A_249 : vector<16xf32>
      %sub3A_251 = arith.subf %get3A_238, %mul3A_250 : vector<16xf32>
      %mul3A_252 = arith.mulf %sub3A_251, %select_n3A_248 : vector<16xf32>
      %mul3A_253 = arith.mulf %mul3A_252, %mul3A_252 : vector<16xf32>
      %add3A_254 = arith.addf %add3A_233, %mul3A_253 : vector<16xf32>
      %add3A_255 = arith.addf %add3A_234, %select_n3A_248 : vector<16xf32>
      %get3A_256 = arith.index_cast %scan3A_166 : i32 to index
      %get3A_257 = arith.constant 32 : index
      %get3A_258 = tpu.vector_load %arg7[%get3A_256, %get3A_257] {strides = array<i32>} : memref<128x101xf32, #tpu.memory_space<vmem>>, vector<1x16xf32>,
      %get3A_259 = vector.shape_cast %get3A_258 : vector<1x16xf32> to vector<16xf32>
      %get3A_260 = arith.index_cast %scan3A_166 : i32 to index
      %get3A_261 = arith.constant 32 : index
      %get3A_262 = tpu.vector_load %arg10[%get3A_260, %get3A_261] {strides = array<i32>} : memref<128x128xf32, #tpu.memory_space<vmem>>, vector<1x16xf32>,
      %get3A_263 = vector.shape_cast %get3A_262 : vector<1x16xf32> to vector<16xf32>
      %ne3A_264 = arith.constant 0.000000e+00 : f32
      %ne3A_265 = vector.broadcast %ne3A_264 : f32 to vector<16xf32>
      %ne3A_266 = arith.cmpf one, %get3A_259, %ne3A_265 : vector<16xf32>
      %jit3A_267 = arith.constant 0.000000e+00 : f32
      %broadcast_in_dim3A_268 = vector.broadcast %jit3A_267 : f32 to vector<16xf32>
      %select_n3A_269 = arith.select %ne3A_266, %select_n3A_206, %broadcast_in_dim3A_268 : vector<16xi1>, vector<16xf32>
      %abs3A_270 = math.absf %get3A_263 : vector<16xf32>
      %mul3A_271 = arith.mulf %gather3A_198, %abs3A_270 : vector<16xf32>
      %sub3A_272 = arith.subf %get3A_259, %mul3A_271 : vector<16xf32>
      %mul3A_273 = arith.mulf %sub3A_272, %select_n3A_269 : vector<16xf32>
      %mul3A_274 = arith.mulf %mul3A_273, %mul3A_273 : vector<16xf32>
      %add3A_275 = arith.addf %add3A_254, %mul3A_274 : vector<16xf32>
      %add3A_276 = arith.addf %add3A_255, %select_n3A_269 : vector<16xf32>
      %get3A_277 = arith.index_cast %scan3A_166 : i32 to index
      %get3A_278 = arith.constant 48 : index
      %get3A_279 = tpu.vector_load %arg7[%get3A_277, %get3A_278] {strides = array<i32>} : memref<128x101xf32, #tpu.memory_space<vmem>>, vector<1x16xf32>,
      %get3A_280 = vector.shape_cast %get3A_279 : vector<1x16xf32> to vector<16xf32>
      %get3A_281 = arith.index_cast %scan3A_166 : i32 to index
      %get3A_282 = arith.constant 48 : index
      %get3A_283 = tpu.vector_load %arg10[%get3A_281, %get3A_282] {strides = array<i32>} : memref<128x128xf32, #tpu.memory_space<vmem>>, vector<1x16xf32>,
      %get3A_284 = vector.shape_cast %get3A_283 : vector<1x16xf32> to vector<16xf32>
      %ne3A_285 = arith.constant 0.000000e+00 : f32
      %ne3A_286 = vector.broadcast %ne3A_285 : f32 to vector<16xf32>
      %ne3A_287 = arith.cmpf one, %get3A_280, %ne3A_286 : vector<16xf32>
      %jit3A_288 = arith.constant 0.000000e+00 : f32
      %broadcast_in_dim3A_289 = vector.broadcast %jit3A_288 : f32 to vector<16xf32>
      %select_n3A_290 = arith.select %ne3A_287, %select_n3A_206, %broadcast_in_dim3A_289 : vector<16xi1>, vector<16xf32>
      %abs3A_291 = math.absf %get3A_284 : vector<16xf32>
      %mul3A_292 = arith.mulf %gather3A_198, %abs3A_291 : vector<16xf32>
      %sub3A_293 = arith.subf %get3A_280, %mul3A_292 : vector<16xf32>
      %mul3A_294 = arith.mulf %sub3A_293, %select_n3A_290 : vector<16xf32>
      %mul3A_295 = arith.mulf %mul3A_294, %mul3A_294 : vector<16xf32>
      %add3A_296 = arith.addf %add3A_275, %mul3A_295 : vector<16xf32>
      %add3A_297 = arith.addf %add3A_276, %select_n3A_290 : vector<16xf32>
      %get3A_298 = arith.index_cast %scan3A_166 : i32 to index
      %get3A_299 = arith.constant 64 : index
      %get3A_300 = tpu.vector_load %arg7[%get3A_298, %get3A_299] {strides = array<i32>} : memref<128x101xf32, #tpu.memory_space<vmem>>, vector<1x16xf32>,
      %get3A_301 = vector.shape_cast %get3A_300 : vector<1x16xf32> to vector<16xf32>
      %get3A_302 = arith.index_cast %scan3A_166 : i32 to index
      %get3A_303 = arith.constant 64 : index
      %get3A_304 = tpu.vector_load %arg10[%get3A_302, %get3A_303] {strides = array<i32>} : memref<128x128xf32, #tpu.memory_space<vmem>>, vector<1x16xf32>,
      %get3A_305 = vector.shape_cast %get3A_304 : vector<1x16xf32> to vector<16xf32>
      %ne3A_306 = arith.constant 0.000000e+00 : f32
      %ne3A_307 = vector.broadcast %ne3A_306 : f32 to vector<16xf32>
      %ne3A_308 = arith.cmpf one, %get3A_301, %ne3A_307 : vector<16xf32>
      %jit3A_309 = arith.constant 0.000000e+00 : f32
      %broadcast_in_dim3A_310 = vector.broadcast %jit3A_309 : f32 to vector<16xf32>
      %select_n3A_311 = arith.select %ne3A_308, %select_n3A_206, %broadcast_in_dim3A_310 : vector<16xi1>, vector<16xf32>
      %abs3A_312 = math.absf %get3A_305 : vector<16xf32>
      %mul3A_313 = arith.mulf %gather3A_198, %abs3A_312 : vector<16xf32>
      %sub3A_314 = arith.subf %get3A_301, %mul3A_313 : vector<16xf32>
      %mul3A_315 = arith.mulf %sub3A_314, %select_n3A_311 : vector<16xf32>
      %mul3A_316 = arith.mulf %mul3A_315, %mul3A_315 : vector<16xf32>
      %add3A_317 = arith.addf %add3A_296, %mul3A_316 : vector<16xf32>
      %add3A_318 = arith.addf %add3A_297, %select_n3A_311 : vector<16xf32>
      %get3A_319 = arith.index_cast %scan3A_166 : i32 to index
      %get3A_320 = arith.constant 80 : index
      %get3A_321 = tpu.vector_load %arg7[%get3A_319, %get3A_320] {strides = array<i32>} : memref<128x101xf32, #tpu.memory_space<vmem>>, vector<1x16xf32>,
      %get3A_322 = vector.shape_cast %get3A_321 : vector<1x16xf32> to vector<16xf32>
      %get3A_323 = arith.index_cast %scan3A_166 : i32 to index
      %get3A_324 = arith.constant 80 : index
      %get3A_325 = tpu.vector_load %arg10[%get3A_323, %get3A_324] {strides = array<i32>} : memref<128x128xf32, #tpu.memory_space<vmem>>, vector<1x16xf32>,
      %get3A_326 = vector.shape_cast %get3A_325 : vector<1x16xf32> to vector<16xf32>
      %ne3A_327 = arith.constant 0.000000e+00 : f32
      %ne3A_328 = vector.broadcast %ne3A_327 : f32 to vector<16xf32>
      %ne3A_329 = arith.cmpf one, %get3A_322, %ne3A_328 : vector<16xf32>
      %jit3A_330 = arith.constant 0.000000e+00 : f32
      %broadcast_in_dim3A_331 = vector.broadcast %jit3A_330 : f32 to vector<16xf32>
      %select_n3A_332 = arith.select %ne3A_329, %select_n3A_206, %broadcast_in_dim3A_331 : vector<16xi1>, vector<16xf32>
      %abs3A_333 = math.absf %get3A_326 : vector<16xf32>
      %mul3A_334 = arith.mulf %gather3A_198, %abs3A_333 : vector<16xf32>
      %sub3A_335 = arith.subf %get3A_322, %mul3A_334 : vector<16xf32>
      %mul3A_336 = arith.mulf %sub3A_335, %select_n3A_332 : vector<16xf32>
      %mul3A_337 = arith.mulf %mul3A_336, %mul3A_336 : vector<16xf32>
      %add3A_338 = arith.addf %add3A_317, %mul3A_337 : vector<16xf32>
      %add3A_339 = arith.addf %add3A_318, %select_n3A_332 : vector<16xf32>
      %get3A_340 = arith.index_cast %scan3A_166 : i32 to index
      %get3A_341 = arith.constant 84 : index
      %get3A_342 = tpu.vector_load %arg7[%get3A_340, %get3A_341] {strides = array<i32>} : memref<128x101xf32, #tpu.memory_space<vmem>>, vector<1x16xf32>,
      %get3A_343 = vector.shape_cast %get3A_342 : vector<1x16xf32> to vector<16xf32>
      %get3A_344 = arith.index_cast %scan3A_166 : i32 to index
      %get3A_345 = arith.constant 84 : index
      %get3A_346 = tpu.vector_load %arg10[%get3A_344, %get3A_345] {strides = array<i32>} : memref<128x128xf32, #tpu.memory_space<vmem>>, vector<1x16xf32>,
      %get3A_347 = vector.shape_cast %get3A_346 : vector<1x16xf32> to vector<16xf32>
      %ne3A_348 = arith.constant 0.000000e+00 : f32
      %ne3A_349 = vector.broadcast %ne3A_348 : f32 to vector<16xf32>
      %ne3A_350 = arith.cmpf one, %get3A_343, %ne3A_349 : vector<16xf32>
      %jit3A_351 = arith.constant 0.000000e+00 : f32
      %broadcast_in_dim3A_352 = vector.broadcast %jit3A_351 : f32 to vector<16xf32>
      %select_n3A_353 = arith.select %ne3A_350, %select_n3A_206, %broadcast_in_dim3A_352 : vector<16xi1>, vector<16xf32>
      %mul3A_354 = arith.mulf %select_n3A_353, %select_n3A_213 : vector<16xf32>
      %abs3A_355 = math.absf %get3A_347 : vector<16xf32>
      %mul3A_356 = arith.mulf %gather3A_198, %abs3A_355 : vector<16xf32>
      %sub3A_357 = arith.subf %get3A_343, %mul3A_356 : vector<16xf32>
      %mul3A_358 = arith.mulf %sub3A_357, %mul3A_354 : vector<16xf32>
      %mul3A_359 = arith.mulf %mul3A_358, %mul3A_358 : vector<16xf32>
      %add3A_360 = arith.addf %add3A_338, %mul3A_359 : vector<16xf32>
      %add3A_361 = arith.addf %add3A_339, %mul3A_354 : vector<16xf32>
      scf.yield %add3A_360, %add3A_361 : vector<16xf32>, vector<16xf32>
    }
    %scan3A_154 = arith.constant 128 : i32
    %swap3A = arith.constant 0 : index
    %swap3A_155 = tpu.vector_load %arg19[%swap3A] {strides = array<i32>} : memref<32xf32, #tpu.memory_space<vmem>>, vector<16xf32>,
    %swap3A_156 = vector.shape_cast %swap3A_155 : vector<16xf32> to vector<16xf32>
    %swap3A_157 = vector.shape_cast %scan3A_153#0 : vector<16xf32> to vector<16xf32>
    tpu.vector_store %arg19[%swap3A], %swap3A_157 {strides = array<i32>} : memref<32xf32, #tpu.memory_space<vmem>>, vector<16xf32>,
    %swap3A_158 = arith.constant 16 : index
    %swap3A_159 = tpu.vector_load %arg19[%swap3A_158] {strides = array<i32>} : memref<32xf32, #tpu.memory_space<vmem>>, vector<16xf32>,
    %swap3A_160 = vector.shape_cast %swap3A_159 : vector<16xf32> to vector<16xf32>
    %swap3A_161 = vector.shape_cast %scan3A_153#1 : vector<16xf32> to vector<16xf32>
    tpu.vector_store %arg19[%swap3A_158], %swap3A_161 {strides = array<i32>} : memref<32xf32, #tpu.memory_space<vmem>>, vector<16xf32>,
    %mul3A_162 = arith.constant 2 : i32
    %mul3A_163 = arith.muli %add3A, %mul3A_162 : i32
    %mul3A_164 = arith.constant 16 : i32
    %mul3A_165 = arith.muli %mul3A_163, %mul3A_164 : i32
    "tpu.region"() ({
      %run_scoped3A = tpu.sem_alloc : memref<!tpu.dma_semaphore, #tpu.memory_space<semaphore_mem>>
      %dma_start3A_166 = tpu.memref_slice %arg6[%mul3A_165] : memref<1024xf32, #tpu.memory_space<hbm>> -> memref<32xf32, #tpu.memory_space<hbm>>
      %dma_start3A_167 = tpu.memref_slice %arg6[%mul3A_165] : memref<1024xf32, #tpu.memory_space<hbm>> -> memref<32xf32, #tpu.memory_space<hbm>>
      tpu.enqueue_dma source(%arg19 : memref<32xf32, #tpu.memory_space<vmem>>) target(%dma_start3A_167 : memref<32xf32, #tpu.memory_space<hbm>>) target_semaphore(%run_scoped3A : memref<!tpu.dma_semaphore, #tpu.memory_space<semaphore_mem>>)
      %dma_wait3A_168 = tpu.memref_slice %arg6[%mul3A_165] : memref<1024xf32, #tpu.memory_space<hbm>> -> memref<32xf32, #tpu.memory_space<hbm>>
      %dma_wait3A_169 = tpu.memref_slice %arg6[%mul3A_165] : memref<1024xf32, #tpu.memory_space<hbm>> -> memref<32xf32, #tpu.memory_space<hbm>>
      tpu.wait_dma2 semaphore(%run_scoped3A : memref<!tpu.dma_semaphore, #tpu.memory_space<semaphore_mem>>) src(%arg19 : memref<32xf32, #tpu.memory_space<vmem>>) dst(%dma_wait3A_169 : memref<32xf32, #tpu.memory_space<hbm>>)
      tpu.yield
    }) : () -> ()
    return
  }
}

</mosaic_0001>

<sc_bundles>
// kernel: kernel.3.cloned.1.call-start
scs
__scs_entry_jumppad:
0x0: {  	(pc) =	sbr.rel $0x88, $3  }
0x1: {  	(tag) =	ssettag $0x0;
	lr =	simm.s32 $0x1  }
0x2: {  	[smem:$0x3F9E] =	sst lr;
	_ =	strace $0xD0000000  }
0x3: {  	_ = 	snop  }
0x4: {  	_ = 	snop  }
0x5: {  	_ = 	snop  }
0x6: {  	_ = 	snop  }
0x7: {  	_ = 	snop  }
__scs_overlays_trampoline_lowered:
0x8: {  	[smem:$0x3FAD] =	sst s0  }
0x9: {  	[smem:$0x3FAE] =	sst s1  }
0xa: {  	[smem:$0x3FAF] =	sst s2  }
0xb: {  	[smem:$0x3FB0] =	sst s3  }
0xc: {  	[smem:$0x3FB1] =	sst s4  }
0xd: {  	[smem:$0x3FB2] =	sst s5  }
0xe: {  	[smem:$0x3FB3] =	sst s6  }
0xf: {  	[smem:$0x3FB4] =	sst s7  }
0x10: {  	[smem:$0x3FB5] =	sst s8  }
0x11: {  	[smem:$0x3FB6] =	sst s9;
	s0 =	simm.s32 @!p0 $0x0  }
0x12: {  	s1 =	sld [smem:$0x3F9C];
	s0 =	simm.s32 @p0 $0x1  }
0x13: {  	[smem:$0x3FB7] =	sst s0;
	s0 =	simm.s32 @!p1 $0x0  }
0x14: {  	s2 =	sld [smem:$0x3F9B];
	s0 =	simm.s32 @p1 $0x1  }
0x15: {  	[smem:$0x3FB8] =	sst s0;
	s0 =	simm.s32 @!p2 $0x0  }
0x16: {  	s3 =	sld [smem:$0x3FDB];
	s0 =	simm.s32 @p2 $0x1  }
0x17: {  	s4 =	simm.s32 $0x1BF5;
	[smem:$0x3FBA] =	sst s0  }
0x18: {  	s0 =	sld [smem:$0x3F9D];
	_ =	swait.ge [sflag:s4], $0x0  }
0x19: {  	s7 =	sld [smem:$0x3F9E]  }
0x1a: {  	s8 =	sadd.s32 $0xFFFFE003, lr  }
0x1b: {  	s9 =	sadd.s32 $0xFFFFFEF7, lr;
	s5 =	simm.s32 $0xFFFFFFFF;
	p2 =	slt.u32 s8, $0xFFFFF086  }
0x1c: {  	p1 =	slt.u32 s9, $0xF7A;
	s5 =	simm.s32 @!p2 $0x0  }
0x1d: {  	s5 =	simm.s32 @p1 $0x1;
	p0 =	seq.s32 s7, s2  }
0x1e: {  	s7 =	smul.u32 @!p0 $0xF7A, s2;
	p2 =	seq.s32 @!p0 s5, $0x0  }
0x1f: {  	s9 =	smul.u32 $0xF7A, s1;
	s8 =	simm.s32 @!p0 $0x1BF5;
	p2 =	por !p2, p0  }
0x20: {  	[sflag:s8] =	ssyncset.s32 @!p0 $0xFFFFF086;
	s6 =	sadd.s32 @!p0 s3, s7;
	s7 =	simm.s32 @!p0 $0x108  }
0x21: {  	s3 =	sadd.s32 s3, s9;
	s6 =	sadd.s32 @!p0 $0x88, s6;
	s7 =	simm.s32 @p2 $0x1082  }
0x22: {  	[simem:s7], [sflag:s8] =	dma.local @!p0 [hbm:s6], $0xF7A  }
0x23: {  	s9 =	sor.u32 $0xD0000000, s2;
	s6 =	simm.s32 $0x108;
	_ =	swait.ge @!p0 [sflag:s8], $0x0  }
0x24: {  	s3 =	sadd.s32 $0x88, s3;
	s6 =	simm.s32 @!p1 $0x1082;
	[sflag:s4] =	ssyncset.s32 $0xFFFFF086  }
0x25: {  	[simem:s6], [sflag:s4] =	dma.local [hbm:s3], $0xF7A  }
0x26: {  	[smem:$0x3F9E] =	sst s1;
	(tag) =	ssettag s2;
	_ =	strace s9  }
0x27: {  	s1 =	sld [smem:$0x3FAE]  }
0x28: {  	s2 =	sld [smem:$0x3FAF]  }
0x29: {  	s4 =	sld [smem:$0x3FB1]  }
0x2a: {  	p0 =	seq.s32 s5, $0x0;
	s5 =	sld [smem:$0x3FB2]  }
0x2b: {  	s6 =	sld [smem:$0x3FB3]  }
0x2c: {  	s7 =	sld [smem:$0x3FB4]  }
0x2d: {  	s3 =	simm.s32 $0x108;
	s8 =	sld [smem:$0x3FB5]  }
0x2e: {  	s3 =	simm.s32 @!p0 $0x1082;
	s9 =	sld [smem:$0x3FB6]  }
0x2f: {  	lr =	sadd.s32 s0, s3;
	s0 =	sld [smem:$0x3FAD]  }
0x30: {  	s3 =	sld [smem:$0x3FB0]  }
0x31: {  	[smem:$0x3FB9] =	sst s10  }
0x32: {  	s10 =	sld [smem:$0x3FB7];
	_ =	sdelay $0x3  }
0x33: {  	p0 =	seq.s32 s10, $0x1;
	s10 =	sld [smem:$0x3FB9];
	_ =	sdelay $0x3  }
0x34: {  	[smem:$0x3FB9] =	sst s10  }
0x35: {  	s10 =	sld [smem:$0x3FB8];
	_ =	sdelay $0x3  }
0x36: {  	p1 =	seq.s32 s10, $0x1;
	s10 =	sld [smem:$0x3FB9];
	_ =	sdelay $0x3  }
0x37: {  	[smem:$0x3FB9] =	sst s10  }
0x38: {  	s10 =	sld [smem:$0x3FBA]  }
0x39: {  	_ = 	snop;
	(pc) =	sbr.ind lr, $3  }
0x3a: {  	_ = 	snop  }
0x3b: {  	_ = 	snop  }
0x3c: {  	p2 =	seq.s32 s10, $0x1;
	s10 =	sld [smem:$0x3FB9]  }
0x3d: {  	_ =	shalt  }
0x3e: {  	_ =	shalt  }
0x3f: {  	_ =	shalt  }
0x40: {  	_ =	shalt  }
0x41: {  	_ =	shalt  }
0x42: {  	_ =	shalt  }
0x43: {  	_ =	shalt  }
0x44: {  	_ =	shalt  }
0x45: {  	_ =	shalt  }
0x46: {  	_ =	shalt  }
0x47: {  	_ =	shalt  }
0x48: {  	_ =	shalt  }
0x49: {  	_ =	shalt  }
0x4a: {  	_ =	shalt  }
0x4b: {  	_ =	shalt  }
0x4c: {  	_ =	shalt  }
0x4d: {  	_ =	shalt  }
0x4e: {  	_ =	shalt  }
0x4f: {  	_ =	shalt  }
0x50: {  	_ =	shalt  }
0x51: {  	_ =	shalt  }
0x52: {  	_ =	shalt  }
0x53: {  	_ =	shalt  }
0x54: {  	_ =	shalt  }
0x55: {  	_ =	shalt  }
0x56: {  	_ =	shalt  }
0x57: {  	_ =	shalt  }
0x58: {  	_ =	shalt  }
0x59: {  	_ =	shalt  }
0x5a: {  	_ =	shalt  }
0x5b: {  	_ =	shalt  }
0x5c: {  	_ =	shalt  }
0x5d: {  	_ =	shalt  }
0x5e: {  	_ =	shalt  }
0x5f: {  	_ =	shalt  }
0x60: {  	_ =	shalt  }
0x61: {  	_ =	shalt  }
0x62: {  	_ =	shalt  }
0x63: {  	_ =	shalt  }
0x64: {  	_ =	shalt  }
0x65: {  	_ =	shalt  }
0x66: {  	_ =	shalt  }
0x67: {  	_ =	shalt  }
0x68: {  	_ =	shalt  }
0x69: {  	_ =	shalt  }
0x6a: {  	_ =	shalt  }
0x6b: {  	_ =	shalt  }
0x6c: {  	_ =	shalt  }
0x6d: {  	_ =	shalt  }
0x6e: {  	_ =	shalt  }
0x6f: {  	_ =	shalt  }
0x70: {  	_ =	shalt  }
0x71: {  	_ =	shalt  }
0x72: {  	_ =	shalt  }
0x73: {  	_ =	shalt  }
0x74: {  	_ =	shalt  }
0x75: {  	_ =	shalt  }
0x76: {  	_ =	shalt  }
0x77: {  	_ =	shalt  }
0x78: {  	_ =	shalt  }
0x79: {  	_ =	shalt  }
0x7a: {  	_ =	shalt  }
0x7b: {  	_ =	shalt  }
0x7c: {  	_ =	shalt  }
0x7d: {  	_ =	shalt  }
0x7e: {  	_ =	shalt  }
0x7f: {  	_ =	shalt  }
0x80: {  	_ =	shalt  }
0x81: {  	_ =	shalt  }
0x82: {  	_ =	shalt  }
0x83: {  	_ =	shalt  }
0x84: {  	_ =	shalt  }
0x85: {  	_ =	shalt  }
0x86: {  	_ =	shalt  }
0x87: {  	_ =	shalt  }
.Lfunc_end0:
.L_simem_size_0:
called_computation_lowered:
.L_overlay_start_0:
0x88: {  	s2 =	sld [smem:$0x3FD9]  }
0x89: {  	s3 =	sld [smem:$0x3FFE];
	_ =	sdelay $0x1  }
0x8a: {  	s1 =	srdreg.scid  }
0x8b: {  	s0 =	sand.u32 $0x1, s1  }
0x8c: {  	s17 =	sshll.u32 s0, $0xA;
	s2 =	sadd.s32 s3, s2  }
0x8d: {  	s2 =	sadd.s32 s2, s17  }
0x8e: {  	[smem:$0x3FC5] =	sst s2  }
0x8f: {  	_ = 	snop  }
0x90: {  	s2 =	sld [smem:$0x3FC8];
	(tm) =	ssettm $0x1  }
0x91: {  	s18 =	sld [smem:$0x3FFB];
	_ =	sdelay $0x3  }
0x92: {  	_ =	strace s18  }
0x93: {  	s3 =	sld [smem:$0x3FFC];
	_ =	sdelay $0x3  }
0x94: {  	_ =	strace s3  }
0x95: {  	s3 =	sld [smem:$0x3FFD];
	_ =	sdelay $0x3  }
0x96: {  	_ =	strace s3  }
0x97: {  	_ =	strace $0x8FFFFFFF  }
0x98: {  	s19 =	sld [smem:$0x3FDB];
	_ =	sdelay $0x1  }
0x99: {  	s4 =	simm.s32 $_scs_section_size  }
0x9a: {  	s5 =	simm.s32 $_size__tile_overlayer_lowered;
	s6 =	simm.s32 $_tile_overlayer_lowered  }
0x9b: {  	s22 =	simm.s32 $0x1BFF;
	s21 =	sshll.u32 s6, $0x1;
	s3 =	sadd.s32 s4, s19  }
0x9c: {  	s7 =	simm.s32 $0x0;
	s20 =	sshll.u32 s5, $0x1;
	s5 =	sadd.s32 s21, s3  }
0x9d: {  	[timem:s7], [sflag:s22] =	dma.local [hbm:s5], s20  }
0x9e: {  	_ =	swait.ge [sflag:s22], s20  }
0x9f: {  	s4 =	ssub.s32 $0x0, s20;
	[sflag:s22] =	ssyncset.done $0x0  }
0xa0: {  	[sflag:s22] =	ssyncadd.s32 s4;
	_ =	sdelay $0x1  }
0xa1: {  	s23 =	simm.s32 $0x1B8B  }
0xa2: {  	_ =	swait.ge [sflag:s23], $0x1  }
0xa3: {  	[sflag:s23] =	ssyncset.done $0x0  }
0xa4: {  	s25 =	simm.s32 $0x1B8E;
	s24 =	sld [smem:$0x3FFE];
	[sflag:s23] =	ssyncadd.s32 $0xFFFFFFFF  }
0xa5: {  	s26 =	simm.s32 $execute0_lowered;
	[smem:$0x3FD2] =	sst s25  }
0xa6: {  	s5 =	sshll.u32 s26, $0x1;
	_ =	strace $0x80000046;
	[dreg:$0x1] =	wrdreg $0xFFFFFFFF  }
0xa7: {  	s28 =	simm.s32 $_size_execute0_lowered;
	s3 =	sadd.s32 s3, s5;
	[dreg:$0x0] =	wrdreg $0x0  }
0xa8: {  	s5 =	sshll.u32 s28, $0x1;
	[dreg:$0x2] =	wrdreg s3  }
0xa9: {  	[dreg:$0x3] =	wrdreg s5  }
0xaa: {  	[dreg:$0x4] =	wrdreg $0xC0  }
0xab: {  	_ =	task [dreg:s7], $0x5FFFF  }
0xac: {  	[dreg:$0x1] =	wrdreg $0xFFFFFFFF  }
0xad: {  	[dreg:$0x0] =	wrdreg $0x60  }
0xae: {  	[dreg:$0x2] =	wrdreg s24  }
0xaf: {  	[dreg:$0x3] =	wrdreg s2  }
0xb0: {  	[dreg:$0x4] =	wrdreg $0x9  }
0xb1: {  	_ =	task.clear_ibuf [dreg:s7], $0x5FFFF;
	_ =	strace $0x90000046  }
0xb2: {  	s29 =	simm.s32 $0x9;
	_ =	strace $0x80000048  }
0xb3: {  	_ =	swait.ge [sflag:s29], $0x1  }
0xb4: {  	[sflag:s29] =	ssyncadd.s32 $0xFFFFFFFF  }
0xb5: {  	_ =	strace $0x90000048  }
0xb6: {  	_ =	sfence  }
0xb7: {  	s30 =	sld [smem:$0x0];
	_ =	sdelay $0x2  }
0xb8: {  	s31 =	sshll.u32 s1, $0xD;
	s1 =	sshrl.u32 s1, $0x2  }
0xb9: {  	s3 =	sand.u32 $0x4000, s31;
	s1 =	sadd.s32 s1, s30  }
0xba: {  	s0 =	sor.u32 s3, s0;
	s1 =	sshll.u32 s1, $0x11  }
0xbb: {  	s0 =	sor.u32 s1, s0  }
0xbc: {  	s0 =	sadd.s32 $0x8F2B, s0  }
0xbd: {  	[sflag:s0] =	ssyncadd.remote.s32 $0x1  }
0xbe: {  	_ =	sfence.sel $0xFFFF  }
0xbf: {  	[dreg:$0x0] =	wrdreg $0xFFFFFFFF;
	(pc) =	sbr.abs _section_cstart, $3  }
0xc0: {  	[dreg:$0x1] =	wrdreg $0xFFFFFFFF  }
0xc1: {  	_ =	task.clear_ibuf [dreg:s7], $0x2FFFF;
	_ =	strace $0x9FFFFFFF  }
0xc2: {  	(tm) =	ssettm $0x7FFFFFFF  }
0xc3: {  	_ =	shalt  }
tec
execute0_lowered:
.L_overlay_start_1:
0x0: {  	(tag) =	ssettag $0x1  }
0x1: {  	s0 =	rddreg [dreg:$0x0]  }
0x2: {  	s1 =	rddreg [dreg:$0x1];
	s2 =	simm.s32 $0x0;
	s3 =	srdreg.scid  }
0x3: {  	s4 =	stileid.u32;
	s18 =	simm.s32 $0x4000;
	s31 =	simm.s32 $0x14400  }
0x4: {  	s28 =	simm.s32 $0x6;
	s30 =	simm.s32 $0x7;
	[smem:$0x7FF] =	sst s2  }
0x5: {  	s3 =	sand.u32 $0x1, s3;
	s4 =	sshll.u32 s4, $0x1;
	s5 =	sadd.s32 $0x800, s0  }
0x6: {  	s6 =	sadd.s32 $0x40800, s0;
	_ =	strace $0x80000047;
	s4 =	sor.u32 s3, s4  }
0x7: {  	s8 =	ssub.s32 $0x2, s3;
	s3 =	sadd.s32 $0x41000, s0;
	s7 =	sshll.u32 s4, $0x2  }
0x8: {  	s19 =	sshrl.u32 s8, $0x1;
	s11 =	sshll.u32 s4, $0x9;
	s20 =	sshll.u32 s4, $0xD  }
0x9: {  	s4 =	sshll.u32 s4, $0x6;
	s0 =	sadd.s32 s7, s0;
	s17 =	ssub.s32 s8, s19  }
0xa: {  	s7 =	sadd.s32 s5, s20;
	s21 =	sor.u32 $0x80, s11;
	s22 =	sadd.s32 s1, s4  }
0xb: {  	s4 =	sadd.s32 s6, s4;
	s12 =	sor.u32 $0x100, s11;
	[dreg:$0x3] =	wrdreg s7  }
0xc: {  	s29 =	sor.u32 $0x180, s11;
	s19 =	simm.s32 $0x4100;
	[dreg:$0x4] =	wrdreg s22  }
0xd: {  	s20 =	simm.s32 $0x1;
	[dreg:$0x5] =	wrdreg s4;
	s23 =	sshll.u32 s21, $0x4  }
0xe: {  	s24 =	sshrl.u32 s21, $0x3;
	s25 =	sshll.u32 s12, $0x4;
	s26 =	sshrl.u32 s12, $0x3  }
0xf: {  	s13 =	sshll.u32 s29, $0x4;
	s15 =	sshrl.u32 s29, $0x3;
	s16 =	sadd.s32 $0x8F200, s0  }
0x10: {  	s17 =	smax.u32 s17, $0x1;
	s21 =	simm.s32 $0x80;
	s22 =	simm.s32 $0x4180  }
0x11: {  	s0 =	simm.s32 $0x4;
	s7 =	sadd.s32 s5, s23;
	s8 =	sadd.s32 s1, s24  }
0x12: {  	s9 =	sadd.s32 s6, s24;
	s10 =	sadd.s32 s5, s25;
	s11 =	sadd.s32 s1, s26  }
0x13: {  	s12 =	sadd.s32 s6, s26;
	s13 =	sadd.s32 s5, s13;
	s14 =	sadd.s32 s1, s15  }
0x14: {  	v1 =	vimm.f32 $1.000000000e+00;
	vm0 =	vcmask $0x2F00;
	s15 =	sadd.s32 s6, s15;
	s25 =	simm.s32 $0xC280;
	s26 =	simm.s32 $0x2  }
0x15: {  	v0 =	vimm.f32 $0.0e+00;
	v1 =	vsel vm0, $0x0, v1;
	s1 =	simm.s32 $0x3;
	s24 =	simm.s32 $0x5;
	s23 =	simm.s32 $0x0  }
.LBB2_1:
0x16: {  	s4 =	rddreg [dreg:$0x3]  }
0x17: {  	[tilespmem:s2], [sflag:$0x1] =	stream.linear.gather [hbm4b:s4+s2], $0x4000, $0x38;
	[tilespmem:$0x18500] =	vst v63  }
0x18: {  	s6 =	rddreg [dreg:$0x4]  }
0x19: {  	[tilespmem:s18], [sflag:$0x1] =	stream.linear.gather [hbm4b:s6+s2], $0x80, $0x38;
	[tilespmem:$0x18500] =	vst v63  }
0x1a: {  	s5 =	rddreg [dreg:$0x5]  }
0x1b: {  	[tilespmem:s19], [sflag:$0x1] =	stream.linear.gather [hbm4b:s5+s2], $0x80, $0x38;
	[tilespmem:$0x18500] =	vst v63  }
0x1c: {  	_ =	swait.ge [sflag:s20], $0x4000  }
0x1d: {  	[sflag:s20] =	ssyncset.done $0x0  }
0x1e: {  	[sflag:s20] =	ssyncadd.s32 $0xFFFFC000  }
0x1f: {  	_ =	swait.ge [sflag:s20], $0x80  }
0x20: {  	[sflag:s20] =	ssyncset.done $0x0  }
0x21: {  	[sflag:s20] =	ssyncadd.s32 $0xFFFFFF80  }
0x22: {  	_ =	swait.ge [sflag:s20], $0x80  }
0x23: {  	[sflag:s20] =	ssyncset.done $0x0  }
0x24: {  	[sflag:s20] =	ssyncadd.s32 $0xFFFFFF80  }
0x25: {  	[tilespmem:s22], [sflag:$0x4] =	stream.indirect.gather [hbm4b:s3+s21], $0x80, s19, s21, $0xb8;
	[tilespmem:$0x18500] =	vst v63  }
0x26: {  	s6 =	simm.s32 $0x8180  }
0x27: {  	[tilespmem:s6], [sflag:$0x2] =	stream.linear.gather [hbm4b:s7+s2], $0x4000, $0x38;
	[tilespmem:$0x18500] =	vst v63  }
0x28: {  	s5 =	simm.s32 $0xC180  }
0x29: {  	[tilespmem:s5], [sflag:$0x2] =	stream.linear.gather [hbm4b:s8+s2], $0x80, $0x38;
	[tilespmem:$0x18500] =	vst v63  }
0x2a: {  	_ = 	snop  }
0x2b: {  	[tilespmem:s25], [sflag:$0x2] =	stream.linear.gather [hbm4b:s9+s2], $0x80, $0x38;
	[tilespmem:$0x18500] =	vst v63  }
0x2c: {  	_ =	swait.ge [sflag:s26], $0x4000  }
0x2d: {  	[sflag:s26] =	ssyncset.done $0x0  }
0x2e: {  	[sflag:s26] =	ssyncadd.s32 $0xFFFFC000  }
0x2f: {  	_ =	swait.ge [sflag:s26], $0x80  }
0x30: {  	[sflag:s26] =	ssyncset.done $0x0  }
0x31: {  	[sflag:s26] =	ssyncadd.s32 $0xFFFFFF80  }
0x32: {  	_ =	swait.ge [sflag:s26], $0x80  }
0x33: {  	[sflag:s26] =	ssyncset.done $0x0  }
0x34: {  	s6 =	simm.s32 $0xC300;
	[sflag:s26] =	ssyncadd.s32 $0xFFFFFF80  }
0x35: {  	[tilespmem:s6], [sflag:$0x5] =	stream.indirect.gather [hbm4b:s3+s21], $0x80, s25, s21, $0xb8;
	[tilespmem:$0x18500] =	vst v63  }
0x36: {  	s5 =	simm.s32 $0x10300  }
0x37: {  	[tilespmem:s5], [sflag:$0x3] =	stream.linear.gather [hbm4b:s10+s2], $0x4000, $0x38;
	[tilespmem:$0x18500] =	vst v63  }
0x38: {  	s6 =	simm.s32 $0x14300  }
0x39: {  	[tilespmem:s6], [sflag:$0x3] =	stream.linear.gather [hbm4b:s11+s2], $0x80, $0x38;
	[tilespmem:$0x18500] =	vst v63  }
0x3a: {  	_ = 	snop  }
0x3b: {  	[tilespmem:s31], [sflag:$0x3] =	stream.linear.gather [hbm4b:s12+s2], $0x80, $0x38;
	[tilespmem:$0x18500] =	vst v63  }
0x3c: {  	_ =	swait.ge [sflag:s0], $0x4000  }
0x3d: {  	[sflag:s0] =	ssyncset.done $0x0  }
0x3e: {  	s4 =	simm.s32 $0x30;
	[sflag:s0] =	ssyncadd.s32 $0xFFFFC000  }
0x3f: {  	v3 =	vld [tilespmem:s4+$0x24]  }
0x40: {  	s29 =	simm.s32 $0x41B0;
	v5 =	vld [tilespmem:s4+$0x20]  }
0x41: {  	v8 =	vld [tilespmem:s29+$0x24]  }
0x42: {  	v2 =	vld [tilespmem:s4+$0x10]  }
0x43: {  	v13 =	vld [tilespmem:s29+$0x20]  }
0x44: {  	v4 =	vld [tilespmem:s4+$0x0]  }
0x45: {  	v14 =	vld [tilespmem:s29+$0x10]  }
0x46: {  	v6 =	vld [tilespmem:s4+$0xFFFFFFF0]  }
0x47: {  	v15 =	vld [tilespmem:s29+$0x0]  }
0x48: {  	v7 =	vld [tilespmem:s4+$0xFFFFFFE0]  }
0x49: {  	v16 =	vld [tilespmem:s29+$0xFFFFFFF0]  }
0x4a: {  	v12 =	vmov s2;
	v9 =	vimm.f32 $0.0e+00;
	v10 =	vld [tilespmem:s4+$0xFFFFFFD0]  }
0x4b: {  	v17 =	vld [tilespmem:s29+$0xFFFFFFE0];
	vm0 =	vlt.f32 v3, $0.0e+00;
	vm1 =	vlt.f32 v5, $0.0e+00;
	vm2 =	vgt.f32 v5, $0.0e+00  }
0x4c: {  	s5 =	simm.s32 $0x1;
	s6 =	sand.u32 $0x70, s2;
	v18 =	vld [tilespmem:s29+$0xFFFFFFD0];
	vm3 =	vgt.f32 v3, $0.0e+00;
	v11 =	vand.u32 $0x7FFFFFFF, v8;
	v8 =	vimm.f32 $0.0e+00  }
.LBB2_2:
0x4d: {  	p0 =	sne.s32 s5, $0x7F;
	v19 =	vld [tilespmem:s6+$0x4000];
	vm4 =	vlt.f32 v2, $0.0e+00;
	vm5 =	vgt.f32 v2, $0.0e+00;
	v13 =	vand.u32 $0x7FFFFFFF, v13  }
0x4e: {  	vm6 =	vlt.f32 v4, $0.0e+00;
	vm7 =	vgt.f32 v4, $0.0e+00;
	v14 =	vand.u32 $0x7FFFFFFF, v14  }
0x4f: {  	vm8 =	vlt.f32 v6, $0.0e+00;
	vm9 =	vgt.f32 v6, $0.0e+00;
	v15 =	vand.u32 $0x7FFFFFFF, v15  }
0x50: {  	vm10 =	vlt.f32 v7, $0.0e+00;
	vm11 =	vgt.f32 v7, $0.0e+00;
	v16 =	vand.u32 $0x7FFFFFFF, v16  }
0x51: {  	vm12 =	vlt.f32 v10, $0.0e+00;
	vm13 =	vgt.f32 v10, $0.0e+00;
	v17 =	vand.u32 $0x7FFFFFFF, v17  }
0x52: {  	vm0 =	vmor vm3, vm0;
	v18 =	vand.u32 $0x7FFFFFFF, v18;
	v19 =	vand.u32 $0x7FFFFFFF, v19  }
0x53: {  	vm1 =	vmor vm2, vm1;
	vm3 =	vmor vm5, vm4;
	v12 =	vperm.xlane v19, v12  }
0x54: {  	vm4 =	vmor vm11, vm10;
	vm5 =	vmor vm9, vm8;
	vm2 =	vmor vm7, vm6  }
0x55: {  	vm6 =	vlt.f32 v12, $0.0e+00;
	vm7 =	vgt.f32 v12, $0.0e+00;
	v18 =	vmul.f32 v18, v12  }
0x56: {  	v11 =	vmul.f32 v11, v12;
	vm6 =	vmor vm7, vm6;
	vm7 =	vmor vm13, vm12  }
0x57: {  	v17 =	vmul.f32 v17, v12;
	v19 =	vsel vm6, $0x3F800000, v0;
	v10 =	vsub.f32 v10, v18  }
0x58: {  	v16 =	vmul.f32 v16, v12;
	v20 =	vmul.f32 v13, v12;
	v18 =	vnsel vm7, $0x0, v19  }
0x59: {  	v13 =	vmul.f32 v14, v12;
	v7 =	vsub.f32 v7, v17;
	v10 =	vmul.f32 v10, v18  }
0x5a: {  	v12 =	vmul.f32 v15, v12;
	v6 =	vsub.f32 v6, v16;
	v14 =	vnsel vm4, $0x0, v19  }
0x5b: {  	s4 =	sadd.s32 $0x80, s4;
	v15 =	vnsel vm5, $0x0, v19;
	v7 =	vmul.f32 v7, v14;
	v10 =	vmul.f32 v10, v10  }
0x5c: {  	v4 =	vsub.f32 v4, v12;
	v17 =	vnsel vm2, $0x0, v19;
	v6 =	vmul.f32 v6, v15;
	v16 =	vld [tilespmem:s4+$0x24]  }
0x5d: {  	s29 =	sadd.s32 $0x80, s29;
	v9 =	vadd.f32 v18, v9;
	v7 =	vmul.f32 v7, v7;
	v12 =	vld [tilespmem:s4+$0x20];
	v8 =	vadd.f32 v10, v8  }
0x5e: {  	v18 =	vnsel vm3, $0x0, v19;
	v10 =	vmul.f32 v4, v17;
	v4 =	vsub.f32 v2, v13;
	v21 =	vld [tilespmem:s29+$0x24]  }
0x5f: {  	v6 =	vmul.f32 v6, v6;
	v2 =	vld [tilespmem:s4+$0x10];
	v7 =	vadd.f32 v7, v8;
	v8 =	vadd.f32 v14, v9  }
0x60: {  	v23 =	vsub.f32 v5, v20;
	v22 =	vnsel vm1, $0x0, v19;
	v9 =	vmul.f32 v4, v18;
	v13 =	vld [tilespmem:s29+$0x20]  }
0x61: {  	v10 =	vmul.f32 v10, v10;
	v4 =	vld [tilespmem:s4+$0x0];
	v7 =	vadd.f32 v6, v7;
	v8 =	vadd.f32 v15, v8  }
0x62: {  	v11 =	vsub.f32 v3, v11;
	v20 =	vmul.f32 v23, v22;
	v19 =	vmul.f32 v1, v19;
	v3 =	vmovc v16;
	v14 =	vld [tilespmem:s29+$0x10]  }
0x63: {  	v9 =	vmul.f32 v9, v9;
	v5 =	vmovc v12;
	v6 =	vld [tilespmem:s4+$0xFFFFFFF0];
	v10 =	vadd.f32 v10, v7;
	v8 =	vadd.f32 v17, v8  }
0x64: {  	v19 =	vnsel vm0, $0x0, v19;
	v17 =	vmul.f32 v20, v20;
	v15 =	vld [tilespmem:s29+$0x0]  }
.Ltmp0:
0x65: {  	v11 =	vmul.f32 v11, v19;
	v7 =	vld [tilespmem:s4+$0xFFFFFFE0];
	v9 =	vadd.f32 v9, v10;
	v8 =	vadd.f32 v18, v8;
	(pc) =	sbr.rel @p0 .LBB2_2-.Ltmp0, $4  }
0x66: {  	v12 =	vmov s5;
	vm0 =	vlt.f32 v3, $0.0e+00;
	v16 =	vld [tilespmem:s29+$0xFFFFFFF0]  }
0x67: {  	v10 =	vld [tilespmem:s4+$0xFFFFFFD0];
	v9 =	vadd.f32 v17, v9;
	v20 =	vadd.f32 v22, v8;
	v8 =	vmul.f32 v11, v11  }
0x68: {  	vm3 =	vgt.f32 v3, $0.0e+00;
	vm1 =	vlt.f32 v5, $0.0e+00;
	vm2 =	vgt.f32 v5, $0.0e+00;
	v17 =	vld [tilespmem:s29+$0xFFFFFFE0]  }
0x69: {  	s6 =	sand.u32 $0x70, s5;
	s5 =	sadd.s32 $0x1, s5;
	v11 =	vand.u32 $0x7FFFFFFF, v21;
	v18 =	vld [tilespmem:s29+$0xFFFFFFD0];
	v8 =	vadd.f32 v8, v9;
	v9 =	vadd.f32 v19, v20  }
0x6a: {  	v19 =	vld [tilespmem:s6+$0x4000];
	_ =	swait.ge [sflag:s1], $0x4000  }
0x6b: {  	[sflag:s1] =	ssyncset.done $0x0  }
0x6c: {  	[sflag:s1] =	ssyncadd.s32 $0xFFFFC000  }
0x6d: {  	vm4 =	vlt.f32 v2, $0.0e+00;
	vm5 =	vgt.f32 v2, $0.0e+00;
	_ =	swait.ge [sflag:s1], $0x80  }
0x6e: {  	v13 =	vand.u32 $0x7FFFFFFF, v13;
	vm6 =	vlt.f32 v4, $0.0e+00;
	vm7 =	vgt.f32 v4, $0.0e+00;
	[sflag:s1] =	ssyncset.done $0x0  }
0x6f: {  	v14 =	vand.u32 $0x7FFFFFFF, v14;
	vm8 =	vlt.f32 v6, $0.0e+00;
	vm9 =	vgt.f32 v6, $0.0e+00;
	[sflag:s1] =	ssyncadd.s32 $0xFFFFFF80  }
0x70: {  	v15 =	vand.u32 $0x7FFFFFFF, v15;
	vm10 =	vlt.f32 v7, $0.0e+00;
	vm11 =	vgt.f32 v7, $0.0e+00;
	_ =	swait.ge [sflag:s1], $0x80  }
0x71: {  	vm0 =	vmor vm3, vm0;
	vm1 =	vmor vm2, vm1;
	v16 =	vand.u32 $0x7FFFFFFF, v16;
	[sflag:s1] =	ssyncset.done $0x0  }
0x72: {  	s4 =	simm.s32 $0x14480;
	vm3 =	vmor vm5, vm4;
	vm2 =	vmor vm11, vm10;
	v19 =	vand.u32 $0x7FFFFFFF, v19;
	[sflag:s1] =	ssyncadd.s32 $0xFFFFFF80  }
0x73: {  	vm4 =	vmor vm9, vm8;
	vm5 =	vmor vm7, vm6;
	v12 =	vperm.xlane v19, v12;
	[tilespmem:s4], [sflag:$0x6] =	stream.indirect.gather [hbm4b:s3+s21], $0x80, s31, s21, $0xb8;
	[tilespmem:$0x18500] =	vst v63  }
0x74: {  	s5 =	simm.s32 $0x0;
	vm12 =	vlt.f32 v10, $0.0e+00;
	vm13 =	vgt.f32 v10, $0.0e+00;
	v17 =	vand.u32 $0x7FFFFFFF, v17  }
0x75: {  	vm15 =	vmor vm13, vm12;
	v18 =	vand.u32 $0x7FFFFFFF, v18;
	vm11 =	vlt.f32 v12, $0.0e+00;
	[tilespmem:s5], [sflag:$0x1] =	stream.linear.gather [hbm4b:s13+s5], $0x4000, $0x38;
	[tilespmem:$0x18500] =	vst v63  }
0x76: {  	vm14 =	vgt.f32 v12, $0.0e+00;
	v18 =	vmul.f32 v18, v12;
	v11 =	vmul.f32 v11, v12  }
0x77: {  	v17 =	vmul.f32 v17, v12;
	v16 =	vmul.f32 v16, v12;
	vm6 =	vmor vm14, vm11;
	[tilespmem:s18], [sflag:$0x1] =	stream.linear.gather [hbm4b:s14+s5], $0x80, $0x38;
	[tilespmem:$0x18500] =	vst v63  }
0x78: {  	v13 =	vmul.f32 v13, v12;
	v19 =	vsel vm6, $0x3F800000, v0;
	v10 =	vsub.f32 v10, v18  }
0x79: {  	v14 =	vmul.f32 v14, v12;
	v12 =	vmul.f32 v15, v12;
	v18 =	vnsel vm15, $0x0, v19;
	[tilespmem:s19], [sflag:$0x1] =	stream.linear.gather [hbm4b:s15+s5], $0x80, $0x38;
	[tilespmem:$0x18500] =	vst v63  }
0x7a: {  	v7 =	vsub.f32 v7, v17;
	v6 =	vsub.f32 v6, v16;
	v10 =	vmul.f32 v10, v18;
	_ =	swait.ge [sflag:s24], $0x4000  }
0x7b: {  	v4 =	vsub.f32 v4, v12;
	v14 =	vsub.f32 v2, v14;
	v17 =	vnsel vm2, $0x0, v19;
	[sflag:s24] =	ssyncset.done $0x0  }
0x7c: {  	s29 =	simm.s32 $0x81B0;
	v15 =	vnsel vm4, $0x0, v19;
	v7 =	vmul.f32 v7, v17;
	v10 =	vmul.f32 v10, v10;
	[sflag:s24] =	ssyncadd.s32 $0xFFFFC000  }
0x7d: {  	v16 =	vnsel vm5, $0x0, v19;
	v6 =	vmul.f32 v6, v15;
	v9 =	vadd.f32 v18, v9;
	v2 =	vld [tilespmem:s29+$0x24]  }
0x7e: {  	s4 =	simm.s32 $0xC330;
	v7 =	vmul.f32 v7, v7;
	v8 =	vadd.f32 v10, v8;
	v10 =	vmul.f32 v4, v16;
	v4 =	vld [tilespmem:s29+$0x20]  }
0x7f: {  	v13 =	vsub.f32 v5, v13;
	v12 =	vnsel vm3, $0x0, v19;
	v20 =	vld [tilespmem:s4+$0x24]  }
0x80: {  	v6 =	vmul.f32 v6, v6;
	v7 =	vadd.f32 v7, v8;
	v8 =	vadd.f32 v17, v9;
	v5 =	vld [tilespmem:s29+$0x10]  }
0x81: {  	v9 =	vmul.f32 v14, v12;
	v14 =	vnsel vm1, $0x0, v19;
	v17 =	vld [tilespmem:s4+$0xFFFFFFE0]  }
0x82: {  	v18 =	vld [tilespmem:s4+$0xFFFFFFD0];
	v6 =	vadd.f32 v6, v7;
	v7 =	vadd.f32 v15, v8;
	v8 =	vmul.f32 v10, v10  }
0x83: {  	v10 =	vmul.f32 v13, v14;
	v13 =	vmul.f32 v1, v19;
	v15 =	vsub.f32 v3, v11;
	v11 =	vld [tilespmem:s4+$0x20]  }
0x84: {  	v3 =	vld [tilespmem:s29+$0x0];
	v6 =	vadd.f32 v8, v6;
	v7 =	vadd.f32 v16, v7;
	v8 =	vmul.f32 v9, v9  }
0x85: {  	v9 =	vmul.f32 v10, v10;
	v10 =	vnsel vm0, $0x0, v13;
	v13 =	vld [tilespmem:s4+$0x10]  }
0x86: {  	v16 =	vld [tilespmem:s4+$0xFFFFFFF0];
	v8 =	vadd.f32 v8, v6;
	v7 =	vadd.f32 v12, v7;
	v12 =	vmul.f32 v15, v10  }
0x87: {  	v6 =	vld [tilespmem:s29+$0xFFFFFFF0];
	vm0 =	vlt.f32 v2, $0.0e+00;
	vm1 =	vlt.f32 v4, $0.0e+00  }
0x88: {  	v15 =	vld [tilespmem:s4+$0x0];
	v8 =	vadd.f32 v9, v8;
	v14 =	vadd.f32 v14, v7;
	v7 =	vmul.f32 v12, v12  }
0x89: {  	vm2 =	vgt.f32 v4, $0.0e+00;
	vm3 =	vgt.f32 v2, $0.0e+00;
	v9 =	vld [tilespmem:s29+$0xFFFFFFE0];
	v12 =	vand.u32 $0x7FFFFFFF, v20  }
0x8a: {  	s6 =	sand.u32 $0x70, s5;
	v7 =	vadd.f32 v7, v8;
	v8 =	vadd.f32 v10, v14;
	v10 =	vld [tilespmem:s29+$0xFFFFFFD0];
	v14 =	vmov s5;
	s5 =	simm.s32 $0x1  }
.LBB2_4:
0x8b: {  	p0 =	sne.s32 s5, $0x7F;
	v19 =	vld [tilespmem:s6+$0xC180];
	vm4 =	vlt.f32 v5, $0.0e+00;
	vm5 =	vgt.f32 v5, $0.0e+00;
	v11 =	vand.u32 $0x7FFFFFFF, v11  }
0x8c: {  	vm6 =	vlt.f32 v3, $0.0e+00;
	vm7 =	vgt.f32 v3, $0.0e+00;
	v13 =	vand.u32 $0x7FFFFFFF, v13  }
0x8d: {  	vm8 =	vlt.f32 v6, $0.0e+00;
	vm9 =	vgt.f32 v6, $0.0e+00;
	v15 =	vand.u32 $0x7FFFFFFF, v15  }
0x8e: {  	vm10 =	vlt.f32 v9, $0.0e+00;
	vm11 =	vgt.f32 v9, $0.0e+00;
	v16 =	vand.u32 $0x7FFFFFFF, v16  }
0x8f: {  	vm12 =	vlt.f32 v10, $0.0e+00;
	vm13 =	vgt.f32 v10, $0.0e+00;
	v17 =	vand.u32 $0x7FFFFFFF, v17  }
0x90: {  	vm0 =	vmor vm3, vm0;
	v18 =	vand.u32 $0x7FFFFFFF, v18;
	v19 =	vand.u32 $0x7FFFFFFF, v19  }
0x91: {  	vm1 =	vmor vm2, vm1;
	vm3 =	vmor vm5, vm4;
	v14 =	vperm.xlane v19, v14  }
0x92: {  	vm4 =	vmor vm11, vm10;
	vm5 =	vmor vm9, vm8;
	vm2 =	vmor vm7, vm6  }
0x93: {  	vm6 =	vlt.f32 v14, $0.0e+00;
	vm7 =	vgt.f32 v14, $0.0e+00;
	v18 =	vmul.f32 v18, v14  }
0x94: {  	v12 =	vmul.f32 v12, v14;
	vm6 =	vmor vm7, vm6;
	vm7 =	vmor vm13, vm12  }
0x95: {  	v17 =	vmul.f32 v17, v14;
	v19 =	vsel vm6, $0x3F800000, v0;
	v10 =	vsub.f32 v10, v18  }
0x96: {  	v16 =	vmul.f32 v16, v14;
	v20 =	vmul.f32 v11, v14;
	v18 =	vnsel vm7, $0x0, v19  }
0x97: {  	v11 =	vmul.f32 v13, v14;
	v9 =	vsub.f32 v9, v17;
	v10 =	vmul.f32 v10, v18  }
0x98: {  	v14 =	vmul.f32 v15, v14;
	v6 =	vsub.f32 v6, v16;
	v13 =	vnsel vm4, $0x0, v19  }
0x99: {  	s29 =	sadd.s32 $0x80, s29;
	v15 =	vnsel vm5, $0x0, v19;
	v9 =	vmul.f32 v9, v13;
	v10 =	vmul.f32 v10, v10  }
0x9a: {  	v3 =	vsub.f32 v3, v14;
	v17 =	vnsel vm2, $0x0, v19;
	v6 =	vmul.f32 v6, v15;
	v16 =	vld [tilespmem:s29+$0x24]  }
0x9b: {  	s4 =	sadd.s32 $0x80, s4;
	v8 =	vadd.f32 v18, v8;
	v9 =	vmul.f32 v9, v9;
	v14 =	vld [tilespmem:s29+$0x20];
	v7 =	vadd.f32 v10, v7  }
0x9c: {  	v18 =	vnsel vm3, $0x0, v19;
	v10 =	vmul.f32 v3, v17;
	v3 =	vsub.f32 v5, v11;
	v21 =	vld [tilespmem:s4+$0x24]  }
0x9d: {  	v8 =	vadd.f32 v13, v8;
	v6 =	vmul.f32 v6, v6;
	v5 =	vld [tilespmem:s29+$0x10];
	v7 =	vadd.f32 v9, v7  }
0x9e: {  	v23 =	vsub.f32 v4, v20;
	v22 =	vnsel vm1, $0x0, v19;
	v9 =	vmul.f32 v3, v18;
	v11 =	vld [tilespmem:s4+$0x20]  }
0x9f: {  	v8 =	vadd.f32 v15, v8;
	v10 =	vmul.f32 v10, v10;
	v3 =	vld [tilespmem:s29+$0x0];
	v7 =	vadd.f32 v6, v7  }
0xa0: {  	v12 =	vsub.f32 v2, v12;
	v20 =	vmul.f32 v23, v22;
	v19 =	vmul.f32 v1, v19;
	v2 =	vmovc v16;
	v13 =	vld [tilespmem:s4+$0x10]  }
0xa1: {  	v8 =	vadd.f32 v17, v8;
	v4 =	vmovc v14;
	v6 =	vld [tilespmem:s29+$0xFFFFFFF0];
	v7 =	vadd.f32 v10, v7;
	v10 =	vmul.f32 v9, v9  }
0xa2: {  	v19 =	vnsel vm0, $0x0, v19;
	v17 =	vmul.f32 v20, v20;
	v15 =	vld [tilespmem:s4+$0x0]  }
.Ltmp1:
0xa3: {  	v12 =	vmul.f32 v12, v19;
	v8 =	vadd.f32 v18, v8;
	v9 =	vld [tilespmem:s29+$0xFFFFFFE0];
	v7 =	vadd.f32 v10, v7;
	(pc) =	sbr.rel @p0 .LBB2_4-.Ltmp1, $4  }
0xa4: {  	v14 =	vmov s5;
	vm0 =	vlt.f32 v2, $0.0e+00;
	v16 =	vld [tilespmem:s4+$0xFFFFFFF0]  }
0xa5: {  	v20 =	vmul.f32 v12, v12;
	v8 =	vadd.f32 v22, v8;
	v10 =	vld [tilespmem:s29+$0xFFFFFFD0];
	v7 =	vadd.f32 v17, v7  }
0xa6: {  	vm3 =	vgt.f32 v2, $0.0e+00;
	vm1 =	vlt.f32 v4, $0.0e+00;
	vm2 =	vgt.f32 v4, $0.0e+00;
	v17 =	vld [tilespmem:s4+$0xFFFFFFE0]  }
0xa7: {  	s6 =	sand.u32 $0x70, s5;
	s5 =	sadd.s32 $0x1, s5;
	v12 =	vand.u32 $0x7FFFFFFF, v21;
	v8 =	vadd.f32 v19, v8;
	v18 =	vld [tilespmem:s4+$0xFFFFFFD0];
	v7 =	vadd.f32 v20, v7  }
0xa8: {  	v19 =	vld [tilespmem:s6+$0xC180];
	vm4 =	vlt.f32 v5, $0.0e+00  }
0xa9: {  	vm5 =	vgt.f32 v5, $0.0e+00;
	v11 =	vand.u32 $0x7FFFFFFF, v11;
	vm6 =	vlt.f32 v3, $0.0e+00  }
0xaa: {  	vm7 =	vgt.f32 v3, $0.0e+00;
	v13 =	vand.u32 $0x7FFFFFFF, v13;
	vm8 =	vlt.f32 v6, $0.0e+00  }
0xab: {  	vm9 =	vgt.f32 v6, $0.0e+00;
	v15 =	vand.u32 $0x7FFFFFFF, v15;
	vm10 =	vlt.f32 v9, $0.0e+00;
	_ =	swait.ge [sflag:s20], $0x4000  }
0xac: {  	vm11 =	vgt.f32 v9, $0.0e+00;
	vm0 =	vmor vm3, vm0;
	vm1 =	vmor vm2, vm1;
	[sflag:s20] =	ssyncset.done $0x0  }
0xad: {  	v16 =	vand.u32 $0x7FFFFFFF, v16;
	vm3 =	vmor vm5, vm4;
	[sflag:s20] =	ssyncadd.s32 $0xFFFFC000;
	v19 =	vand.u32 $0x7FFFFFFF, v19  }
0xae: {  	vm2 =	vmor vm11, vm10;
	vm5 =	vmor vm7, vm6;
	_ =	swait.ge [sflag:s20], $0x80;
	v14 =	vperm.xlane v19, v14  }
0xaf: {  	vm12 =	vlt.f32 v10, $0.0e+00;
	vm13 =	vgt.f32 v10, $0.0e+00;
	v17 =	vand.u32 $0x7FFFFFFF, v17;
	[sflag:s20] =	ssyncset.done $0x0  }
0xb0: {  	vm15 =	vmor vm13, vm12;
	v18 =	vand.u32 $0x7FFFFFFF, v18;
	[sflag:s20] =	ssyncadd.s32 $0xFFFFFF80;
	vm11 =	vlt.f32 v14, $0.0e+00  }
0xb1: {  	_ =	swait.ge [sflag:s20], $0x80;
	vm14 =	vgt.f32 v14, $0.0e+00;
	v18 =	vmul.f32 v18, v14;
	v12 =	vmul.f32 v12, v14  }
0xb2: {  	[sflag:s20] =	ssyncset.done $0x0;
	v17 =	vmul.f32 v17, v14;
	v16 =	vmul.f32 v16, v14;
	vm6 =	vmor vm14, vm11  }
0xb3: {  	v11 =	vmul.f32 v11, v14;
	[sflag:s20] =	ssyncadd.s32 $0xFFFFFF80;
	v19 =	vsel vm6, $0x3F800000, v0;
	v10 =	vsub.f32 v10, v18  }
0xb4: {  	v13 =	vmul.f32 v13, v14;
	v14 =	vmul.f32 v15, v14;
	[tilespmem:s22], [sflag:$0x4] =	stream.indirect.gather [hbm4b:s3+s21], $0x80, s19, s21, $0xb8;
	v18 =	vnsel vm15, $0x0, v19;
	[tilespmem:$0x18500] =	vst v63  }
0xb5: {  	vm4 =	vmor vm9, vm8;
	v9 =	vsub.f32 v9, v17;
	_ =	swait.ge [sflag:s28], $0x4000;
	v10 =	vmul.f32 v10, v18  }
0xb6: {  	v6 =	vsub.f32 v6, v16;
	v3 =	vsub.f32 v3, v14;
	v17 =	vnsel vm2, $0x0, v19;
	[sflag:s28] =	ssyncset.done $0x0  }
0xb7: {  	s29 =	simm.s32 $0x10330;
	v13 =	vsub.f32 v5, v13;
	v9 =	vmul.f32 v9, v17;
	[sflag:s28] =	ssyncadd.s32 $0xFFFFC000;
	v10 =	vmul.f32 v10, v10  }
0xb8: {  	s4 =	simm.s32 $0x144B0;
	v11 =	vsub.f32 v4, v11;
	v15 =	vnsel vm4, $0x0, v19;
	v8 =	vadd.f32 v18, v8;
	v5 =	vld [tilespmem:s29+$0x20]  }
0xb9: {  	v6 =	vmul.f32 v6, v15;
	v20 =	vld [tilespmem:s4+$0x24];
	v9 =	vmul.f32 v9, v9;
	v7 =	vadd.f32 v10, v7  }
0xba: {  	v16 =	vnsel vm5, $0x0, v19;
	v14 =	vnsel vm3, $0x0, v19;
	v4 =	vld [tilespmem:s29+$0x10];
	v8 =	vadd.f32 v17, v8  }
0xbb: {  	v18 =	vld [tilespmem:s4+$0xFFFFFFD0];
	v6 =	vmul.f32 v6, v6;
	v10 =	vmul.f32 v3, v16;
	v7 =	vadd.f32 v9, v7  }
0xbc: {  	v17 =	vsub.f32 v2, v12;
	v2 =	vld [tilespmem:s29+$0x0];
	v9 =	vmul.f32 v13, v14;
	v13 =	vnsel vm1, $0x0, v19  }
0xbd: {  	v12 =	vld [tilespmem:s4+$0x10];
	v6 =	vadd.f32 v6, v7;
	v7 =	vadd.f32 v15, v8;
	v8 =	vmul.f32 v10, v10  }
0xbe: {  	v3 =	vld [tilespmem:s29+$0x24];
	v10 =	vmul.f32 v11, v13;
	v15 =	vmul.f32 v1, v19  }
0xbf: {  	v11 =	vld [tilespmem:s4+$0x20];
	v6 =	vadd.f32 v8, v6;
	v7 =	vadd.f32 v16, v7;
	v8 =	vmul.f32 v9, v9  }
0xc0: {  	v9 =	vmul.f32 v10, v10;
	v10 =	vnsel vm0, $0x0, v15;
	v15 =	vld [tilespmem:s4+$0x0]  }
0xc1: {  	v16 =	vld [tilespmem:s4+$0xFFFFFFF0];
	v8 =	vadd.f32 v8, v6;
	v7 =	vadd.f32 v14, v7;
	v14 =	vmul.f32 v17, v10  }
0xc2: {  	vm1 =	vlt.f32 v5, $0.0e+00;
	vm2 =	vgt.f32 v5, $0.0e+00;
	v6 =	vld [tilespmem:s29+$0xFFFFFFF0]  }
0xc3: {  	s5 =	simm.s32 $0x0;
	v17 =	vld [tilespmem:s4+$0xFFFFFFE0];
	v8 =	vadd.f32 v9, v8;
	v13 =	vadd.f32 v13, v7;
	v7 =	vmul.f32 v14, v14  }
0xc4: {  	vm3 =	vgt.f32 v3, $0.0e+00;
	vm0 =	vlt.f32 v3, $0.0e+00;
	v9 =	vld [tilespmem:s29+$0xFFFFFFE0];
	v14 =	vmov s5  }
0xc5: {  	s6 =	sand.u32 $0x70, s5;
	s5 =	simm.s32 $0x1;
	v7 =	vadd.f32 v7, v8;
	v8 =	vadd.f32 v10, v13;
	v10 =	vld [tilespmem:s29+$0xFFFFFFD0];
	v13 =	vand.u32 $0x7FFFFFFF, v20  }
.LBB2_6:
0xc6: {  	p0 =	sne.s32 s5, $0x7F;
	v19 =	vld [tilespmem:s6+$0x14300];
	vm4 =	vlt.f32 v4, $0.0e+00;
	vm5 =	vgt.f32 v4, $0.0e+00;
	v11 =	vand.u32 $0x7FFFFFFF, v11  }
0xc7: {  	vm6 =	vlt.f32 v2, $0.0e+00;
	vm7 =	vgt.f32 v2, $0.0e+00;
	v12 =	vand.u32 $0x7FFFFFFF, v12  }
0xc8: {  	vm8 =	vlt.f32 v6, $0.0e+00;
	vm9 =	vgt.f32 v6, $0.0e+00;
	v15 =	vand.u32 $0x7FFFFFFF, v15  }
0xc9: {  	vm10 =	vlt.f32 v9, $0.0e+00;
	vm11 =	vgt.f32 v9, $0.0e+00;
	v16 =	vand.u32 $0x7FFFFFFF, v16  }
0xca: {  	vm12 =	vlt.f32 v10, $0.0e+00;
	vm13 =	vgt.f32 v10, $0.0e+00;
	v17 =	vand.u32 $0x7FFFFFFF, v17  }
0xcb: {  	vm0 =	vmor vm3, vm0;
	v18 =	vand.u32 $0x7FFFFFFF, v18;
	v19 =	vand.u32 $0x7FFFFFFF, v19  }
0xcc: {  	vm1 =	vmor vm2, vm1;
	vm3 =	vmor vm5, vm4;
	v14 =	vperm.xlane v19, v14  }
0xcd: {  	vm4 =	vmor vm11, vm10;
	vm5 =	vmor vm9, vm8;
	vm2 =	vmor vm7, vm6  }
0xce: {  	vm6 =	vlt.f32 v14, $0.0e+00;
	vm7 =	vgt.f32 v14, $0.0e+00;
	v18 =	vmul.f32 v18, v14  }
0xcf: {  	v13 =	vmul.f32 v13, v14;
	vm6 =	vmor vm7, vm6;
	vm7 =	vmor vm13, vm12  }
0xd0: {  	v17 =	vmul.f32 v17, v14;
	v19 =	vsel vm6, $0x3F800000, v0;
	v10 =	vsub.f32 v10, v18  }
0xd1: {  	v16 =	vmul.f32 v16, v14;
	v20 =	vmul.f32 v11, v14;
	v18 =	vnsel vm7, $0x0, v19  }
0xd2: {  	v11 =	vmul.f32 v12, v14;
	v9 =	vsub.f32 v9, v17;
	v10 =	vmul.f32 v10, v18  }
0xd3: {  	v14 =	vmul.f32 v15, v14;
	v6 =	vsub.f32 v6, v16;
	v12 =	vnsel vm4, $0x0, v19  }
0xd4: {  	s29 =	sadd.s32 $0x80, s29;
	v15 =	vnsel vm5, $0x0, v19;
	v9 =	vmul.f32 v9, v12;
	v10 =	vmul.f32 v10, v10  }
0xd5: {  	v2 =	vsub.f32 v2, v14;
	v17 =	vnsel vm2, $0x0, v19;
	v6 =	vmul.f32 v6, v15;
	v16 =	vld [tilespmem:s29+$0x24]  }
0xd6: {  	s4 =	sadd.s32 $0x80, s4;
	v8 =	vadd.f32 v18, v8;
	v9 =	vmul.f32 v9, v9;
	v14 =	vld [tilespmem:s29+$0x20];
	v7 =	vadd.f32 v10, v7  }
0xd7: {  	v18 =	vnsel vm3, $0x0, v19;
	v10 =	vmul.f32 v2, v17;
	v2 =	vsub.f32 v4, v11;
	v21 =	vld [tilespmem:s4+$0x24]  }
0xd8: {  	v8 =	vadd.f32 v12, v8;
	v6 =	vmul.f32 v6, v6;
	v4 =	vld [tilespmem:s29+$0x10];
	v7 =	vadd.f32 v9, v7  }
0xd9: {  	v23 =	vsub.f32 v5, v20;
	v22 =	vnsel vm1, $0x0, v19;
	v9 =	vmul.f32 v2, v18;
	v11 =	vld [tilespmem:s4+$0x20]  }
0xda: {  	v8 =	vadd.f32 v15, v8;
	v10 =	vmul.f32 v10, v10;
	v2 =	vld [tilespmem:s29+$0x0];
	v7 =	vadd.f32 v6, v7  }
0xdb: {  	v13 =	vsub.f32 v3, v13;
	v20 =	vmul.f32 v23, v22;
	v19 =	vmul.f32 v1, v19;
	v3 =	vmovc v16;
	v12 =	vld [tilespmem:s4+$0x10]  }
0xdc: {  	v8 =	vadd.f32 v17, v8;
	v5 =	vmovc v14;
	v6 =	vld [tilespmem:s29+$0xFFFFFFF0];
	v7 =	vadd.f32 v10, v7;
	v10 =	vmul.f32 v9, v9  }
0xdd: {  	v19 =	vnsel vm0, $0x0, v19;
	v17 =	vmul.f32 v20, v20;
	v15 =	vld [tilespmem:s4+$0x0]  }
.Ltmp2:
0xde: {  	v13 =	vmul.f32 v13, v19;
	v8 =	vadd.f32 v18, v8;
	v9 =	vld [tilespmem:s29+$0xFFFFFFE0];
	v7 =	vadd.f32 v10, v7;
	(pc) =	sbr.rel @p0 .LBB2_6-.Ltmp2, $4  }
0xdf: {  	v14 =	vmov s5;
	vm0 =	vlt.f32 v3, $0.0e+00;
	v16 =	vld [tilespmem:s4+$0xFFFFFFF0]  }
0xe0: {  	v20 =	vmul.f32 v13, v13;
	v8 =	vadd.f32 v22, v8;
	v10 =	vld [tilespmem:s29+$0xFFFFFFD0];
	v7 =	vadd.f32 v17, v7  }
0xe1: {  	vm3 =	vgt.f32 v3, $0.0e+00;
	vm1 =	vlt.f32 v5, $0.0e+00;
	vm2 =	vgt.f32 v5, $0.0e+00;
	v17 =	vld [tilespmem:s4+$0xFFFFFFE0]  }
0xe2: {  	s6 =	sand.u32 $0x70, s5;
	s5 =	sadd.s32 $0x1, s5;
	v13 =	vand.u32 $0x7FFFFFFF, v21;
	v8 =	vadd.f32 v19, v8;
	v18 =	vld [tilespmem:s4+$0xFFFFFFD0];
	v7 =	vadd.f32 v20, v7  }
0xe3: {  	v19 =	vld [tilespmem:s6+$0x14300];
	vm4 =	vlt.f32 v4, $0.0e+00;
	vm5 =	vgt.f32 v4, $0.0e+00;
	v11 =	vand.u32 $0x7FFFFFFF, v11  }
0xe4: {  	vm6 =	vlt.f32 v2, $0.0e+00;
	vm7 =	vgt.f32 v2, $0.0e+00;
	v12 =	vand.u32 $0x7FFFFFFF, v12  }
0xe5: {  	vm8 =	vlt.f32 v6, $0.0e+00;
	vm9 =	vgt.f32 v6, $0.0e+00;
	v15 =	vand.u32 $0x7FFFFFFF, v15  }
0xe6: {  	vm10 =	vlt.f32 v9, $0.0e+00;
	vm11 =	vgt.f32 v9, $0.0e+00;
	vm0 =	vmor vm3, vm0  }
0xe7: {  	vm1 =	vmor vm2, vm1;
	v16 =	vand.u32 $0x7FFFFFFF, v16;
	vm3 =	vmor vm5, vm4  }
0xe8: {  	vm2 =	vmor vm11, vm10;
	vm5 =	vmor vm7, vm6;
	v19 =	vand.u32 $0x7FFFFFFF, v19  }
0xe9: {  	vm12 =	vlt.f32 v10, $0.0e+00;
	vm13 =	vgt.f32 v10, $0.0e+00;
	v14 =	vperm.xlane v19, v14  }
0xea: {  	v17 =	vand.u32 $0x7FFFFFFF, v17;
	vm15 =	vmor vm13, vm12;
	v18 =	vand.u32 $0x7FFFFFFF, v18  }
0xeb: {  	vm11 =	vlt.f32 v14, $0.0e+00;
	v18 =	vmul.f32 v18, v14;
	v13 =	vmul.f32 v13, v14  }
0xec: {  	vm14 =	vgt.f32 v14, $0.0e+00;
	v17 =	vmul.f32 v17, v14;
	v16 =	vmul.f32 v16, v14  }
0xed: {  	v11 =	vmul.f32 v11, v14;
	v12 =	vmul.f32 v12, v14;
	vm6 =	vmor vm14, vm11  }
0xee: {  	v14 =	vmul.f32 v15, v14;
	v19 =	vsel vm6, $0x3F800000, v0;
	v10 =	vsub.f32 v10, v18  }
0xef: {  	vm4 =	vmor vm9, vm8;
	v9 =	vsub.f32 v9, v17;
	v18 =	vnsel vm15, $0x0, v19  }
0xf0: {  	_ =	swait.ge [sflag:s0], $0x4000;
	v6 =	vsub.f32 v6, v16;
	v2 =	vsub.f32 v2, v14;
	v10 =	vmul.f32 v10, v18  }
0xf1: {  	[sflag:s0] =	ssyncset.done $0x0;
	v4 =	vsub.f32 v4, v12;
	v5 =	vsub.f32 v5, v11;
	v17 =	vnsel vm2, $0x0, v19  }
0xf2: {  	s4 =	simm.s32 $0x41B0;
	[sflag:s0] =	ssyncadd.s32 $0xFFFFC000;
	v13 =	vsub.f32 v3, v13;
	v9 =	vmul.f32 v9, v17;
	v10 =	vmul.f32 v10, v10  }
0xf3: {  	v20 =	vld [tilespmem:s4+$0x24];
	v15 =	vnsel vm4, $0x0, v19;
	v14 =	vnsel vm3, $0x0, v19;
	v8 =	vadd.f32 v18, v8  }
0xf4: {  	s29 =	simm.s32 $0x30;
	v11 =	vld [tilespmem:s4+$0x20];
	v6 =	vmul.f32 v6, v15;
	v9 =	vmul.f32 v9, v9;
	v7 =	vadd.f32 v10, v7  }
0xf5: {  	v3 =	vld [tilespmem:s29+$0x0];
	v16 =	vnsel vm5, $0x0, v19;
	v12 =	vmul.f32 v4, v14;
	v8 =	vadd.f32 v17, v8  }
0xf6: {  	v4 =	vld [tilespmem:s29+$0x10];
	v10 =	vmul.f32 v2, v16;
	v7 =	vadd.f32 v9, v7;
	v9 =	vmul.f32 v6, v6  }
0xf7: {  	v18 =	vld [tilespmem:s4+$0xFFFFFFD0];
	v8 =	vadd.f32 v15, v8  }
0xf8: {  	v17 =	vnsel vm1, $0x0, v19;
	v2 =	vld [tilespmem:s29+$0x24];
	v7 =	vadd.f32 v9, v7;
	v9 =	vmul.f32 v10, v10  }
0xf9: {  	v5 =	vmul.f32 v5, v17;
	v15 =	vld [tilespmem:s4+$0x0];
	v8 =	vadd.f32 v16, v8;
	v10 =	vmul.f32 v1, v19  }
0xfa: {  	v6 =	vld [tilespmem:s29+$0x20];
	v7 =	vadd.f32 v9, v7;
	v9 =	vmul.f32 v12, v12  }
0xfb: {  	v16 =	vmul.f32 v5, v5;
	v5 =	vld [tilespmem:s29+$0xFFFFFFF0];
	v8 =	vadd.f32 v14, v8;
	v10 =	vnsel vm0, $0x0, v10  }
0xfc: {  	s5 =	simm.s32 $0x0;
	v12 =	vld [tilespmem:s4+$0x10];
	v7 =	vadd.f32 v9, v7;
	v9 =	vmul.f32 v13, v10  }
0xfd: {  	v14 =	vmov s5;
	v13 =	vadd.f32 v17, v8;
	v17 =	vld [tilespmem:s4+$0xFFFFFFE0]  }
0xfe: {  	vm3 =	vgt.f32 v2, $0.0e+00;
	v7 =	vadd.f32 v16, v7;
	v8 =	vmul.f32 v9, v9;
	v9 =	vld [tilespmem:s29+$0xFFFFFFE0]  }
0xff: {  	vm0 =	vlt.f32 v2, $0.0e+00;
	vm1 =	vlt.f32 v6, $0.0e+00;
	vm2 =	vgt.f32 v6, $0.0e+00;
	v16 =	vld [tilespmem:s4+$0xFFFFFFF0]  }
0x100: {  	s6 =	sand.u32 $0x70, s5;
	s5 =	simm.s32 $0x1;
	v8 =	vadd.f32 v8, v7;
	v7 =	vadd.f32 v10, v13;
	v10 =	vld [tilespmem:s29+$0xFFFFFFD0];
	v13 =	vand.u32 $0x7FFFFFFF, v20  }
.LBB2_8:
0x101: {  	p0 =	sne.s32 s5, $0x7F;
	v19 =	vld [tilespmem:s6+$0x4000];
	vm4 =	vlt.f32 v4, $0.0e+00;
	vm5 =	vgt.f32 v4, $0.0e+00;
	v11 =	vand.u32 $0x7FFFFFFF, v11  }
0x102: {  	vm6 =	vlt.f32 v3, $0.0e+00;
	vm7 =	vgt.f32 v3, $0.0e+00;
	v12 =	vand.u32 $0x7FFFFFFF, v12  }
0x103: {  	vm8 =	vlt.f32 v5, $0.0e+00;
	vm9 =	vgt.f32 v5, $0.0e+00;
	v15 =	vand.u32 $0x7FFFFFFF, v15  }
0x104: {  	vm10 =	vlt.f32 v9, $0.0e+00;
	vm11 =	vgt.f32 v9, $0.0e+00;
	v16 =	vand.u32 $0x7FFFFFFF, v16  }
0x105: {  	vm12 =	vlt.f32 v10, $0.0e+00;
	vm13 =	vgt.f32 v10, $0.0e+00;
	v17 =	vand.u32 $0x7FFFFFFF, v17  }
0x106: {  	vm0 =	vmor vm3, vm0;
	v18 =	vand.u32 $0x7FFFFFFF, v18;
	v19 =	vand.u32 $0x7FFFFFFF, v19  }
0x107: {  	vm1 =	vmor vm2, vm1;
	vm3 =	vmor vm5, vm4;
	v14 =	vperm.xlane v19, v14  }
0x108: {  	vm4 =	vmor vm11, vm10;
	vm5 =	vmor vm9, vm8;
	vm2 =	vmor vm7, vm6  }
0x109: {  	vm6 =	vlt.f32 v14, $0.0e+00;
	vm7 =	vgt.f32 v14, $0.0e+00;
	v18 =	vmul.f32 v18, v14  }
0x10a: {  	v13 =	vmul.f32 v13, v14;
	vm6 =	vmor vm7, vm6;
	vm7 =	vmor vm13, vm12  }
0x10b: {  	v17 =	vmul.f32 v17, v14;
	v19 =	vsel vm6, $0x3F800000, v0;
	v10 =	vsub.f32 v10, v18  }
0x10c: {  	v16 =	vmul.f32 v16, v14;
	v20 =	vmul.f32 v11, v14;
	v18 =	vnsel vm7, $0x0, v19  }
0x10d: {  	v11 =	vmul.f32 v12, v14;
	v9 =	vsub.f32 v9, v17;
	v10 =	vmul.f32 v10, v18  }
0x10e: {  	v14 =	vmul.f32 v15, v14;
	v5 =	vsub.f32 v5, v16;
	v12 =	vnsel vm4, $0x0, v19  }
0x10f: {  	s29 =	sadd.s32 $0x80, s29;
	v15 =	vnsel vm5, $0x0, v19;
	v9 =	vmul.f32 v9, v12;
	v10 =	vmul.f32 v10, v10  }
0x110: {  	v3 =	vsub.f32 v3, v14;
	v17 =	vnsel vm2, $0x0, v19;
	v5 =	vmul.f32 v5, v15;
	v16 =	vld [tilespmem:s29+$0x24]  }
0x111: {  	s4 =	sadd.s32 $0x80, s4;
	v7 =	vadd.f32 v18, v7;
	v9 =	vmul.f32 v9, v9;
	v14 =	vld [tilespmem:s29+$0x20];
	v8 =	vadd.f32 v10, v8  }
0x112: {  	v18 =	vnsel vm3, $0x0, v19;
	v10 =	vmul.f32 v3, v17;
	v3 =	vsub.f32 v4, v11;
	v21 =	vld [tilespmem:s4+$0x24]  }
0x113: {  	v7 =	vadd.f32 v12, v7;
	v5 =	vmul.f32 v5, v5;
	v4 =	vld [tilespmem:s29+$0x10];
	v8 =	vadd.f32 v9, v8  }
0x114: {  	v23 =	vsub.f32 v6, v20;
	v22 =	vnsel vm1, $0x0, v19;
	v9 =	vmul.f32 v3, v18;
	v11 =	vld [tilespmem:s4+$0x20]  }
0x115: {  	v7 =	vadd.f32 v15, v7;
	v10 =	vmul.f32 v10, v10;
	v3 =	vld [tilespmem:s29+$0x0];
	v8 =	vadd.f32 v5, v8  }
0x116: {  	v13 =	vsub.f32 v2, v13;
	v20 =	vmul.f32 v23, v22;
	v19 =	vmul.f32 v1, v19;
	v2 =	vmovc v16;
	v12 =	vld [tilespmem:s4+$0x10]  }
0x117: {  	v7 =	vadd.f32 v17, v7;
	v6 =	vmovc v14;
	v5 =	vld [tilespmem:s29+$0xFFFFFFF0];
	v8 =	vadd.f32 v10, v8;
	v10 =	vmul.f32 v9, v9  }
0x118: {  	v19 =	vnsel vm0, $0x0, v19;
	v17 =	vmul.f32 v20, v20;
	v15 =	vld [tilespmem:s4+$0x0]  }
.Ltmp3:
0x119: {  	v13 =	vmul.f32 v13, v19;
	v7 =	vadd.f32 v18, v7;
	v9 =	vld [tilespmem:s29+$0xFFFFFFE0];
	v8 =	vadd.f32 v10, v8;
	(pc) =	sbr.rel @p0 .LBB2_8-.Ltmp3, $4  }
0x11a: {  	v14 =	vmov s5;
	vm0 =	vlt.f32 v2, $0.0e+00;
	v16 =	vld [tilespmem:s4+$0xFFFFFFF0]  }
0x11b: {  	v20 =	vmul.f32 v13, v13;
	v7 =	vadd.f32 v22, v7;
	v10 =	vld [tilespmem:s29+$0xFFFFFFD0];
	v8 =	vadd.f32 v17, v8  }
0x11c: {  	vm3 =	vgt.f32 v2, $0.0e+00;
	vm1 =	vlt.f32 v6, $0.0e+00;
	vm2 =	vgt.f32 v6, $0.0e+00;
	v17 =	vld [tilespmem:s4+$0xFFFFFFE0]  }
0x11d: {  	s6 =	sand.u32 $0x70, s5;
	s5 =	sadd.s32 $0x1, s5;
	v13 =	vand.u32 $0x7FFFFFFF, v21;
	v7 =	vadd.f32 v19, v7;
	v18 =	vld [tilespmem:s4+$0xFFFFFFD0];
	v8 =	vadd.f32 v20, v8  }
0x11e: {  	v19 =	vld [tilespmem:s6+$0x4000];
	vm4 =	vlt.f32 v4, $0.0e+00;
	vm5 =	vgt.f32 v4, $0.0e+00  }
0x11f: {  	v11 =	vand.u32 $0x7FFFFFFF, v11;
	vm6 =	vlt.f32 v3, $0.0e+00;
	vm7 =	vgt.f32 v3, $0.0e+00  }
0x120: {  	v12 =	vand.u32 $0x7FFFFFFF, v12;
	vm8 =	vlt.f32 v5, $0.0e+00;
	vm9 =	vgt.f32 v5, $0.0e+00  }
0x121: {  	v15 =	vand.u32 $0x7FFFFFFF, v15;
	vm10 =	vlt.f32 v9, $0.0e+00;
	vm11 =	vgt.f32 v9, $0.0e+00  }
0x122: {  	vm0 =	vmor vm3, vm0;
	vm1 =	vmor vm2, vm1;
	v16 =	vand.u32 $0x7FFFFFFF, v16  }
0x123: {  	vm3 =	vmor vm5, vm4;
	vm2 =	vmor vm11, vm10;
	v19 =	vand.u32 $0x7FFFFFFF, v19  }
0x124: {  	vm4 =	vmor vm9, vm8;
	vm6 =	vmor vm7, vm6;
	v14 =	vperm.xlane v19, v14  }
0x125: {  	vm12 =	vlt.f32 v10, $0.0e+00;
	v17 =	vand.u32 $0x7FFFFFFF, v17;
	v18 =	vand.u32 $0x7FFFFFFF, v18  }
0x126: {  	vm15 =	vlt.f32 v14, $0.0e+00;
	vm14 =	vgt.f32 v14, $0.0e+00;
	v18 =	vmul.f32 v18, v14  }
0x127: {  	vm13 =	vgt.f32 v10, $0.0e+00;
	v17 =	vmul.f32 v17, v14;
	vm5 =	vmor vm14, vm15  }
0x128: {  	vm15 =	vmor vm13, vm12;
	v49 =	vsel vm5, $0x3F800000, v0;
	v50 =	vsub.f32 v10, v18  }
0x129: {  	v13 =	vmul.f32 v13, v14;
	v16 =	vmul.f32 v16, v14;
	v51 =	vnsel vm15, $0x0, v49  }
0x12a: {  	v11 =	vmul.f32 v11, v14;
	v52 =	vsub.f32 v9, v17;
	v10 =	vmul.f32 v50, v51  }
0x12b: {  	v15 =	vmul.f32 v15, v14;
	v12 =	vmul.f32 v12, v14;
	v53 =	vnsel vm2, $0x0, v49  }
0x12c: {  	v54 =	vsub.f32 v5, v16;
	v9 =	vmul.f32 v52, v53;
	v10 =	vmul.f32 v10, v10  }
0x12d: {  	v3 =	vsub.f32 v3, v15;
	v57 =	vsub.f32 v4, v12;
	v55 =	vnsel vm4, $0x0, v49  }
0x12e: {  	v5 =	vmul.f32 v54, v55;
	v9 =	vmul.f32 v9, v9;
	v8 =	vadd.f32 v10, v8  }
0x12f: {  	v6 =	vsub.f32 v6, v11;
	v56 =	vnsel vm6, $0x0, v49;
	v7 =	vadd.f32 v51, v7  }
0x130: {  	v3 =	vmul.f32 v3, v56;
	v5 =	vmul.f32 v5, v5;
	v8 =	vadd.f32 v9, v8  }
0x131: {  	v2 =	vsub.f32 v2, v13;
	v58 =	vnsel vm3, $0x0, v49;
	v7 =	vadd.f32 v53, v7  }
0x132: {  	v4 =	vmul.f32 v57, v58;
	v3 =	vmul.f32 v3, v3;
	v5 =	vadd.f32 v5, v8  }
0x133: {  	v59 =	vnsel vm1, $0x0, v49;
	v60 =	vmul.f32 v1, v49;
	v7 =	vadd.f32 v55, v7  }
0x134: {  	v6 =	vmul.f32 v6, v59;
	v4 =	vmul.f32 v4, v4;
	v3 =	vadd.f32 v3, v5  }
0x135: {  	v62 =	vnsel vm0, $0x0, v60;
	v61 =	vadd.f32 v56, v7  }
0x136: {  	v6 =	vmul.f32 v6, v6;
	v2 =	vmul.f32 v2, v62;
	v3 =	vadd.f32 v4, v3  }
0x137: {  	v63 =	vadd.f32 v58, v61  }
0x138: {  	v2 =	vmul.f32 v2, v2;
	v3 =	vadd.f32 v6, v3  }
0x139: {  	v4 =	vadd.f32 v59, v63  }
0x13a: {  	v2 =	vadd.f32 v2, v3  }
0x13b: {  	s23 =	sadd.s32 $0x1, s23;
	v3 =	vadd.f32 v62, v4  }
0x13c: {  	p0 =	sne.s32 s23, s17;
	[tilespmem:$0x18480] =	vst v2  }
.Ltmp4:
0x13d: {  	s4 =	simm.s32 $0x18480;
	[tilespmem:$0x18490] =	vst v3;
	(pc) =	sbr.rel @p0 .LBB2_1-.Ltmp4, $4  }
0x13e: {  	[hbm4b:s16+s2] =	stream.linear.scatter [tilespmem:s4], [sflag:$0x7], $0x20, $0x38;
	[tilespmem:$0x18500] =	vst v63  }
0x13f: {  	_ =	swait.ge [sflag:s30], $0x20  }
0x140: {  	[sflag:s30] =	ssyncset.done $0x0  }
0x141: {  	[sflag:s30] =	ssyncadd.s32 $0xFFFFFFE0  }
0x142: {  	_ =	sfence.sel $0x180000  }
0x143: {  	[bflag:$0x0] =	sbarrier.arrive $0xFFFF  }
0x144: {  	_ =	strace $0x90000047  }
0x145: {  	s0 =	stileid.u32;
	[bflag:$0x2] =	sbarrier.arrive $0xFFFF  }
0x146: {  	p0 =	sne.s32 s0, $0x0;
	s0 =	rddreg [dreg:$0x2]  }
0x147: {  	s0 =	sadd.s32 @!p0 $0x100000, s0  }
0x148: {  	[sflag:s0] =	ssyncadd.tile.s32 @!p0 $0x1;
	_ =	shalt  }
.Lfunc_end2:
_tile_overlayer_lowered:
.L_overlay_start_2:
0x149: {  	(tag) =	ssettag $0x2  }
0x14a: {  	s0 =	rddreg [dreg:$0x0];
	s2 =	stileid.u32  }
0x14b: {  	s1 =	rddreg [dreg:$0x1];
	p0 =	sne.s32 s2, $0x0  }
0x14c: {  	s3 =	rddreg [dreg:$0x2];
	[bflag:$0x3] =	sbarrier.arrive $0xFFFF;
	s2 =	simm.s32 @!p0 $0x1C07  }
0x14d: {  	[timem:s3], [sflag:s2] =	dma.local @!p0 [hbm:s0], s1  }
0x14e: {  	s0 =	simm.s32 @!p0 $0x7  }
0x14f: {  	_ =	swait.ge @!p0 [sflag:s0], s1  }
0x150: {  	s1 =	ssub.s32 @!p0 $0x0, s1;
	[sflag:s0] =	ssyncset.done @!p0 $0x0  }
0x151: {  	[sflag:s0] =	ssyncadd.s32 @!p0 s1  }
0x152: {  	[bflag:$0x3] =	sbarrier.arrive $0xFFFF  }
0x153: {  	_ =	shalt  }

</sc_bundles>
